<compile_context>
chip_gen: v7x
topology: tpu7x:2x2x1
jax: 0.10.2.dev20260603
libtpu: 0.0.44.dev20260713+nightly
codegen_flags: <defaults>
</compile_context>

<pallas_src>
import functools

import jax
import jax.numpy as jnp
from jax import lax
from jax.experimental import pallas as pl
from jax.experimental.pallas import tpu as pltpu
from jax.experimental.pallas import tpu_sc as plsc

_CONF = 0.1
_IOU = 0.7
_K = 2048
_NB = 16
_B = 128
_MAXDET = 300
_SX = 1920.0 / 1280.0
_SY = 1080.0 / 1024.0


def _transpose_col(row, eye):
    return lax.dot_general(
        eye, row, (((1,), (1,)), ((), ())),
        preferred_element_type=jnp.float32,
        precision=lax.Precision.HIGHEST,
    )


def _transpose_row(col, eye):
    return lax.dot_general(
        col, eye, (((0,), (0,)), ((), ())),
        preferred_element_type=jnp.float32,
        precision=lax.Precision.HIGHEST,
    )


def _iou_block(rx1, ry1, rx2, ry2, rar, cx1, cy1, cx2, cy2, car):
    xx1 = jnp.maximum(rx1, cx1)
    yy1 = jnp.maximum(ry1, cy1)
    xx2 = jnp.minimum(rx2, cx2)
    yy2 = jnp.minimum(ry2, cy2)
    iw = jnp.maximum(xx2 - xx1, 0.0)
    ih = jnp.maximum(yy2 - yy1, 0.0)
    inter = iw * ih
    union = rar + car - inter
    return jnp.where(union > 0.0, inter / union, 0.0)


_OROW = 304


def _nms_body(cx_ref, cy_ref, w_ref, h_ref, sc_ref,
              out_ref,
              keeps, x1s, y1s, x2s, y2s, ars, cnt_ref):
    b = pl.program_id(0)

    @pl.when(b == 0)
    def _init():
        cx = cx_ref[...]
        cy = cy_ref[...]
        w2 = w_ref[...] * 0.5
        h2 = h_ref[...] * 0.5
        x1s[...] = cx - w2
        y1s[...] = cy - h2
        x2s[...] = cx + w2
        y2s[...] = cy + h2
        ars[...] = (x2s[...] - x1s[...]) * (y2s[...] - y1s[...])
        keeps[...] = jnp.zeros((_NB, _B), jnp.float32)
        cnt_ref[0] = 0

    @pl.when(cnt_ref[0] < _MAXDET)
    def _block():
        ii = lax.broadcasted_iota(jnp.int32, (_B, _B), 0)
        jj = lax.broadcasted_iota(jnp.int32, (_B, _B), 1)
        eye = (ii == jj).astype(jnp.float32)

        bx1 = x1s[pl.ds(b, 1), :]
        by1 = y1s[pl.ds(b, 1), :]
        bx2 = x2s[pl.ds(b, 1), :]
        by2 = y2s[pl.ds(b, 1), :]
        bar = ars[pl.ds(b, 1), :]
        rx1 = _transpose_col(bx1, eye)
        ry1 = _transpose_col(by1, eye)
        rx2 = _transpose_col(bx2, eye)
        ry2 = _transpose_col(by2, eye)
        rar = _transpose_col(bar, eye)

        def cross(c, sup):
            cx1 = x1s[pl.ds(c, 1), :]
            cy1 = y1s[pl.ds(c, 1), :]
            cx2 = x2s[pl.ds(c, 1), :]
            cy2 = y2s[pl.ds(c, 1), :]
            car = ars[pl.ds(c, 1), :]
            kc = keeps[pl.ds(c, 1), :]
            iou = _iou_block(rx1, ry1, rx2, ry2, rar, cx1, cy1, cx2, cy2, car)
            contrib = jnp.where(iou > _IOU, kc, 0.0)
            return jnp.maximum(sup, jnp.max(contrib, axis=1, keepdims=True))

        sup = lax.fori_loop(0, b, cross, jnp.zeros((_B, 1), jnp.float32))

        iou_d = _iou_block(rx1, ry1, rx2, ry2, rar, bx1, by1, bx2, by2, bar)
        strict_lt = jj < ii
        m = jnp.where((iou_d > _IOU) & strict_lt, 1.0, 0.0)

        def not_converged(carry):
            kb, changed = carry
            return changed

        def step(carry):
            kb, _ = carry
            s = jnp.maximum(jnp.max(m * kb, axis=1, keepdims=True), sup)
            kb_new = _transpose_row(1.0 - jnp.minimum(s, 1.0), eye)
            return kb_new, jnp.any(kb_new != kb)

        kb0 = jnp.ones((1, _B), jnp.float32)
        kb, _ = lax.while_loop(not_converged, step, (kb0, jnp.bool_(True)))
        keeps[pl.ds(b, 1), :] = kb

        valid = jnp.where(sc_ref[pl.ds(b, 1), :] >= _CONF, kb, 0.0)
        cnt_ref[0] = cnt_ref[0] + jnp.sum(valid).astype(jnp.int32)

    @pl.when(b == _NB - 1)
    def _emit():
        ii = lax.broadcasted_iota(jnp.int32, (_B, _B), 0)
        jj = lax.broadcasted_iota(jnp.int32, (_B, _B), 1)
        eyeb = (ii == jj).astype(jnp.float32)
        ustrict = (ii < jj).astype(jnp.float32)
        hi = lax.Precision.HIGHEST

        valid = jnp.where((sc_ref[...] >= _CONF) & (keeps[...] > 0.5),
                          1.0, 0.0)
        pos_in = lax.dot_general(valid, ustrict, (((1,), (0,)), ((), ())),
                                 preferred_element_type=jnp.float32,
                                 precision=hi)
        rowsum = pos_in[:, _B - 1:_B] + valid[:, _B - 1:_B]
        r16 = lax.broadcasted_iota(jnp.int32, (_NB, _NB), 0)
        s16 = lax.broadcasted_iota(jnp.int32, (_NB, _NB), 1)
        lstrict = (s16 < r16).astype(jnp.float32)
        row_off = lax.dot_general(lstrict, rowsum, (((1,), (0,)), ((), ())),
                                  preferred_element_type=jnp.float32,
                                  precision=hi)
        p = row_off + pos_in
        pfin = jnp.where((valid > 0.5) & (p < _MAXDET), p, 1e9)

        def t16(a):
            return lax.dot_general(eyeb, a, (((1,), (1,)), ((), ())),
                                   preferred_element_type=jnp.float32,
                                   precision=hi)

        pT = t16(pfin)
        vT = [t16(cx_ref[...] * _SX + 1.0), t16(cy_ref[...] * _SY + 1.0),
              t16(w_ref[...] * _SX), t16(h_ref[...] * _SY), t16(sc_ref[...])]
        kio = lax.broadcasted_iota(jnp.int32, (1, _OROW), 1).astype(jnp.float32)
        zpad = jnp.zeros((_B, 3), jnp.float32)
        acc = jnp.zeros((_OROW, 8), jnp.float32)
        for r in range(_NB):
            pr = pT[:, r:r + 1]
            oh = (pr == kio).astype(jnp.float32)
            vals = jnp.concatenate([v[:, r:r + 1] for v in vT] + [zpad],
                                   axis=1)
            acc = acc + lax.dot_general(oh, vals, (((0,), (0,)), ((), ())),
                                        preferred_element_type=jnp.float32,
                                        precision=hi)
        out_ref[...] = acc


def _nms(cx, cy, w, h, sc):
    spec_full = pl.BlockSpec((_NB, _B), lambda b: (0, 0))
    return pl.pallas_call(
        _nms_body,
        grid=(_NB,),
        in_specs=[spec_full] * 5,
        out_specs=pl.BlockSpec((_OROW, 8), lambda b: (0, 0)),
        out_shape=jax.ShapeDtypeStruct((_OROW, 8), jnp.float32),
        scratch_shapes=[pltpu.VMEM((_NB, _B), jnp.float32)] * 6
        + [pltpu.SMEM((1,), jnp.int32)],
    )(cx, cy, w, h, sc)


_GPW = _K // 32


_N = 20000


def _gather_body(xflat, idx_hbm, o0, o1, o2, o3, o4,
                 idx_v, i0, i1, i2, i3, i4, v0, v1, v2, v3, v4, sem):
    wid = lax.axis_index("s") * 2 + lax.axis_index("c")
    base = wid * _GPW
    pltpu.sync_copy(idx_hbm.at[pl.ds(base, _GPW)], idx_v)
    idxr = (i0, i1, i2, i3, i4)
    vals = (v0, v1, v2, v3, v4)
    outs = (o0, o1, o2, o3, o4)
    for r in range(5):
        for c in range(_GPW // 16):
            idxr[r][pl.ds(c * 16, 16)] = idx_v[pl.ds(c * 16, 16)] + r * _N
    copies = [pltpu.async_copy(xflat.at[idxr[r]], vals[r], sem)
              for r in range(5)]
    for r in range(5):
        copies[r].wait()
        pltpu.sync_copy(vals[r], outs[r].at[pl.ds(base, _GPW)])


@functools.cache
def _build_gather():
    mesh = plsc.VectorSubcoreMesh(core_axis_name="c", subcore_axis_name="s")
    return pl.kernel(
        _gather_body,
        mesh=mesh,
        out_type=[jax.ShapeDtypeStruct((_K,), jnp.float32)] * 5,
        scratch_types=[pltpu.VMEM((_GPW,), jnp.int32)] * 6
        + [pltpu.VMEM((_GPW,), jnp.float32)] * 5
        + [pltpu.SemaphoreType.DMA],
        compiler_params=pltpu.CompilerParams(needs_layout_passes=False),
    )


def kernel(x):
    scores_all = x[4]
    masked = jnp.where(scores_all >= _CONF, scores_all, -jnp.inf)
    _, top_idx = lax.top_k(masked, _K)
    gcx, gcy, gw, gh, gsc = _build_gather()(x.reshape(5 * _N), top_idx)
    out = _nms(gcx.reshape(_NB, _B), gcy.reshape(_NB, _B),
               gw.reshape(_NB, _B), gh.reshape(_NB, _B),
               gsc.reshape(_NB, _B))
    return out[:_MAXDET, :5]

# --- scband reference (transcript-rebuilt; emitter-appended) ---
"""Pipeline reference for scband-yolov8-simplified-64544768524883 (READ-ONLY COPY).

The authoritative reference and input builder live on the scoring server;
editing this copy changes nothing except your own understanding.
"""

import jax, jax.numpy as jnp
import numpy as np

CONF_THRESH = 0.1
IOU_THRESH = 0.7
MAX_NMS = 2048   # cap on candidates entering greedy NMS (ultralytics-style max_nms cap)
MAX_DET = 300    # fixed-size padded output
IMG_SIZE = jnp.array([1280.0, 1024.0, 1280.0, 1024.0], dtype=jnp.float32)
DET_SCALE = jnp.array([1920.0, 1080.0, 1920.0, 1080.0], dtype=jnp.float32)  # detections_scale[::-1].repeat(2)


def xywh2xyxy(x):
    xy = x[..., :2]
    wh = x[..., 2:] / 2.0
    return jnp.concatenate([xy - wh, xy + wh], axis=-1)


def xyxy2xywh(x):
    c = (x[..., :2] + x[..., 2:]) / 2.0
    wh = x[..., 2:] - x[..., :2]
    return jnp.concatenate([c, wh], axis=-1)


def pairwise_iou(b):
    x1, y1, x2, y2 = b[:, 0], b[:, 1], b[:, 2], b[:, 3]
    area = (x2 - x1) * (y2 - y1)
    xx1 = jnp.maximum(x1[:, None], x1[None, :])
    yy1 = jnp.maximum(y1[:, None], y1[None, :])
    xx2 = jnp.minimum(x2[:, None], x2[None, :])
    yy2 = jnp.minimum(y2[:, None], y2[None, :])
    w = jnp.maximum(xx2 - xx1, 0.0)
    h = jnp.maximum(yy2 - yy1, 0.0)
    inter = w * h
    union = area[:, None] + area[None, :] - inter
    return jnp.where(union > 0, inter / union, 0.0)


def nms_keep(boxes, K):
    # boxes are sorted by score descending; greedy suppression like torchvision.ops.nms
    iou = jax.lax.stop_gradient(pairwise_iou(boxes))
    idxs = jnp.arange(K)

    def body(i, keep):
        suppressed = jnp.any((iou[i] > IOU_THRESH) & keep & (idxs < i))
        return keep.at[i].set(keep[i] & jnp.logical_not(suppressed))

    return jax.lax.fori_loop(0, K, body, jnp.ones((K,), dtype=bool))


def setup_inputs(seed: int = 0) -> dict:
    key = jax.random.key(seed)
    # Detector-head output x = traced_model(img)[0]: rows are (cx, cy, w, h, score)
    x = jax.random.normal(key, (5, 20000), dtype=jnp.float32)
    return {"x": x}


def reference(x):
    xt = x.T                        # [N, 5] after x.transpose(-1, -2)
    scores_all = xt[:, 4]
    # confidence threshold (xc mask) -- implemented as score masking + fixed-size top_k
    scores = jnp.where(scores_all >= CONF_THRESH, scores_all, -jnp.inf)
    top_scores, top_idx = jax.lax.top_k(scores, MAX_NMS)
    cand = xt[top_idx]              # [MAX_NMS, 5]
    boxes = xywh2xyxy(cand[:, :4])
    keep = nms_keep(boxes, MAX_NMS) & (top_scores >= CONF_THRESH)
    keep_scores = jnp.where(keep, top_scores, -jnp.inf)
    det_scores, det_i = jax.lax.top_k(keep_scores, MAX_DET)
    det = cand[det_i]               # [MAX_DET, 5]  == x[indices]
    det_boxes = xywh2xyxy(det[:, :4]) * (DET_SCALE / IMG_SIZE)
    det_boxes = xyxy2xywh(det_boxes + 1.0)
    out = jnp.concatenate([det_boxes, det[:, 4:5]], axis=1)
    out = jnp.where((det_scores >= CONF_THRESH)[:, None], out, 0.0)  # zero-pad invalid rows
    return out

if __name__ == "__main__":
    import jax
    _d = setup_inputs()
    print(jax.jit(kernel)(*tuple(_d.values())))

</pallas_src>

<mosaic_0001>
#map = affine_map<(d0, d1) -> (0)>
module attributes {stable_mosaic.version = 14 : i64} {
  func.func @_gather_body(%arg0: i32, %arg1: i32, %arg2: memref<100000xf32, #tpu.memory_space<hbm>>, %arg3: memref<2048xi32, #tpu.memory_space<hbm>>, %arg4: memref<2048xf32, #tpu.memory_space<hbm>>, %arg5: memref<2048xf32, #tpu.memory_space<hbm>>, %arg6: memref<2048xf32, #tpu.memory_space<hbm>>, %arg7: memref<2048xf32, #tpu.memory_space<hbm>>, %arg8: memref<2048xf32, #tpu.memory_space<hbm>>, %arg9: memref<64xi32, #tpu.memory_space<vmem>>, %arg10: memref<64xi32, #tpu.memory_space<vmem>>, %arg11: memref<64xi32, #tpu.memory_space<vmem>>, %arg12: memref<64xi32, #tpu.memory_space<vmem>>, %arg13: memref<64xi32, #tpu.memory_space<vmem>>, %arg14: memref<64xi32, #tpu.memory_space<vmem>>, %arg15: memref<64xf32, #tpu.memory_space<vmem>>, %arg16: memref<64xf32, #tpu.memory_space<vmem>>, %arg17: memref<64xf32, #tpu.memory_space<vmem>>, %arg18: memref<64xf32, #tpu.memory_space<vmem>>, %arg19: memref<64xf32, #tpu.memory_space<vmem>>, %arg20: memref<!tpu.dma_semaphore, #tpu.memory_space<semaphore_mem>>) attributes {dimension_semantics = [#tpu.dimension_semantics<core_parallel>, #tpu.dimension_semantics<subcore_parallel>], iteration_bounds = array<i64: 2, 16>, scalar_prefetch = 0 : i64, scratch_operands = 12 : i64, tpu.core_type = #tpu.core_type<sc_vector_subcore>, window_params = [{transform_indices = #map}, {transform_indices = #map}, {transform_indices = #map}, {transform_indices = #map}, {transform_indices = #map}, {transform_indices = #map}, {transform_indices = #map}]} {
    %mul3A = arith.constant 2 : i32
    %mul3A_0 = arith.muli %arg1, %mul3A : i32
    %add3A = arith.addi %mul3A_0, %arg0 : i32
    %mul3A_1 = arith.constant 64 : i32
    %mul3A_2 = arith.muli %add3A, %mul3A_1 : i32
    "tpu.region"() ({
      %run_scoped3A = tpu.sem_alloc : memref<!tpu.dma_semaphore, #tpu.memory_space<semaphore_mem>>
      %dma_start3A_159 = tpu.memref_slice %arg3[%mul3A_2] : memref<2048xi32, #tpu.memory_space<hbm>> -> memref<64xi32, #tpu.memory_space<hbm>>
      %dma_start3A_160 = tpu.memref_slice %arg3[%mul3A_2] : memref<2048xi32, #tpu.memory_space<hbm>> -> memref<64xi32, #tpu.memory_space<hbm>>
      tpu.enqueue_dma source(%dma_start3A_160 : memref<64xi32, #tpu.memory_space<hbm>>) target(%arg9 : memref<64xi32, #tpu.memory_space<vmem>>) target_semaphore(%run_scoped3A : memref<!tpu.dma_semaphore, #tpu.memory_space<semaphore_mem>>)
      %dma_wait3A_161 = tpu.memref_slice %arg3[%mul3A_2] : memref<2048xi32, #tpu.memory_space<hbm>> -> memref<64xi32, #tpu.memory_space<hbm>>
      %dma_wait3A_162 = tpu.memref_slice %arg3[%mul3A_2] : memref<2048xi32, #tpu.memory_space<hbm>> -> memref<64xi32, #tpu.memory_space<hbm>>
      tpu.wait_dma2 semaphore(%run_scoped3A : memref<!tpu.dma_semaphore, #tpu.memory_space<semaphore_mem>>) src(%dma_wait3A_162 : memref<64xi32, #tpu.memory_space<hbm>>) dst(%arg9 : memref<64xi32, #tpu.memory_space<vmem>>)
      tpu.yield
    }) : () -> ()
    %get3A = arith.constant 0 : index
    %get3A_3 = tpu.vector_load %arg9[%get3A] {strides = array<i32>} : memref<64xi32, #tpu.memory_space<vmem>>, vector<16xi32>,
    %add3A_4 = arith.constant 0 : i32
    %add3A_5 = vector.broadcast %add3A_4 : i32 to vector<16xi32>
    %add3A_6 = arith.addi %get3A_3, %add3A_5 : vector<16xi32>
    %swap3A = arith.constant 0 : index
    %swap3A_7 = tpu.vector_load %arg10[%swap3A] {strides = array<i32>} : memref<64xi32, #tpu.memory_space<vmem>>, vector<16xi32>,
    tpu.vector_store %arg10[%swap3A], %add3A_6 {strides = array<i32>} : memref<64xi32, #tpu.memory_space<vmem>>, vector<16xi32>,
    %get3A_8 = arith.constant 16 : index
    %get3A_9 = tpu.vector_load %arg9[%get3A_8] {strides = array<i32>} : memref<64xi32, #tpu.memory_space<vmem>>, vector<16xi32>,
    %add3A_10 = arith.constant 0 : i32
    %add3A_11 = vector.broadcast %add3A_10 : i32 to vector<16xi32>
    %add3A_12 = arith.addi %get3A_9, %add3A_11 : vector<16xi32>
    %swap3A_13 = arith.constant 16 : index
    %swap3A_14 = tpu.vector_load %arg10[%swap3A_13] {strides = array<i32>} : memref<64xi32, #tpu.memory_space<vmem>>, vector<16xi32>,
    tpu.vector_store %arg10[%swap3A_13], %add3A_12 {strides = array<i32>} : memref<64xi32, #tpu.memory_space<vmem>>, vector<16xi32>,
    %get3A_15 = arith.constant 32 : index
    %get3A_16 = tpu.vector_load %arg9[%get3A_15] {strides = array<i32>} : memref<64xi32, #tpu.memory_space<vmem>>, vector<16xi32>,
    %add3A_17 = arith.constant 0 : i32
    %add3A_18 = vector.broadcast %add3A_17 : i32 to vector<16xi32>
    %add3A_19 = arith.addi %get3A_16, %add3A_18 : vector<16xi32>
    %swap3A_20 = arith.constant 32 : index
    %swap3A_21 = tpu.vector_load %arg10[%swap3A_20] {strides = array<i32>} : memref<64xi32, #tpu.memory_space<vmem>>, vector<16xi32>,
    tpu.vector_store %arg10[%swap3A_20], %add3A_19 {strides = array<i32>} : memref<64xi32, #tpu.memory_space<vmem>>, vector<16xi32>,
    %get3A_22 = arith.constant 48 : index
    %get3A_23 = tpu.vector_load %arg9[%get3A_22] {strides = array<i32>} : memref<64xi32, #tpu.memory_space<vmem>>, vector<16xi32>,
    %add3A_24 = arith.constant 0 : i32
    %add3A_25 = vector.broadcast %add3A_24 : i32 to vector<16xi32>
    %add3A_26 = arith.addi %get3A_23, %add3A_25 : vector<16xi32>
    %swap3A_27 = arith.constant 48 : index
    %swap3A_28 = tpu.vector_load %arg10[%swap3A_27] {strides = array<i32>} : memref<64xi32, #tpu.memory_space<vmem>>, vector<16xi32>,
    tpu.vector_store %arg10[%swap3A_27], %add3A_26 {strides = array<i32>} : memref<64xi32, #tpu.memory_space<vmem>>, vector<16xi32>,
    %get3A_29 = arith.constant 0 : index
    %get3A_30 = tpu.vector_load %arg9[%get3A_29] {strides = array<i32>} : memref<64xi32, #tpu.memory_space<vmem>>, vector<16xi32>,
    %add3A_31 = arith.constant 20000 : i32
    %add3A_32 = vector.broadcast %add3A_31 : i32 to vector<16xi32>
    %add3A_33 = arith.addi %get3A_30, %add3A_32 : vector<16xi32>
    %swap3A_34 = arith.constant 0 : index
    %swap3A_35 = tpu.vector_load %arg11[%swap3A_34] {strides = array<i32>} : memref<64xi32, #tpu.memory_space<vmem>>, vector<16xi32>,
    tpu.vector_store %arg11[%swap3A_34], %add3A_33 {strides = array<i32>} : memref<64xi32, #tpu.memory_space<vmem>>, vector<16xi32>,
    %get3A_36 = arith.constant 16 : index
    %get3A_37 = tpu.vector_load %arg9[%get3A_36] {strides = array<i32>} : memref<64xi32, #tpu.memory_space<vmem>>, vector<16xi32>,
    %add3A_38 = arith.constant 20000 : i32
    %add3A_39 = vector.broadcast %add3A_38 : i32 to vector<16xi32>
    %add3A_40 = arith.addi %get3A_37, %add3A_39 : vector<16xi32>
    %swap3A_41 = arith.constant 16 : index
    %swap3A_42 = tpu.vector_load %arg11[%swap3A_41] {strides = array<i32>} : memref<64xi32, #tpu.memory_space<vmem>>, vector<16xi32>,
    tpu.vector_store %arg11[%swap3A_41], %add3A_40 {strides = array<i32>} : memref<64xi32, #tpu.memory_space<vmem>>, vector<16xi32>,
    %get3A_43 = arith.constant 32 : index
    %get3A_44 = tpu.vector_load %arg9[%get3A_43] {strides = array<i32>} : memref<64xi32, #tpu.memory_space<vmem>>, vector<16xi32>,
    %add3A_45 = arith.constant 20000 : i32
    %add3A_46 = vector.broadcast %add3A_45 : i32 to vector<16xi32>
    %add3A_47 = arith.addi %get3A_44, %add3A_46 : vector<16xi32>
    %swap3A_48 = arith.constant 32 : index
    %swap3A_49 = tpu.vector_load %arg11[%swap3A_48] {strides = array<i32>} : memref<64xi32, #tpu.memory_space<vmem>>, vector<16xi32>,
    tpu.vector_store %arg11[%swap3A_48], %add3A_47 {strides = array<i32>} : memref<64xi32, #tpu.memory_space<vmem>>, vector<16xi32>,
    %get3A_50 = arith.constant 48 : index
    %get3A_51 = tpu.vector_load %arg9[%get3A_50] {strides = array<i32>} : memref<64xi32, #tpu.memory_space<vmem>>, vector<16xi32>,
    %add3A_52 = arith.constant 20000 : i32
    %add3A_53 = vector.broadcast %add3A_52 : i32 to vector<16xi32>
    %add3A_54 = arith.addi %get3A_51, %add3A_53 : vector<16xi32>
    %swap3A_55 = arith.constant 48 : index
    %swap3A_56 = tpu.vector_load %arg11[%swap3A_55] {strides = array<i32>} : memref<64xi32, #tpu.memory_space<vmem>>, vector<16xi32>,
    tpu.vector_store %arg11[%swap3A_55], %add3A_54 {strides = array<i32>} : memref<64xi32, #tpu.memory_space<vmem>>, vector<16xi32>,
    %get3A_57 = arith.constant 0 : index
    %get3A_58 = tpu.vector_load %arg9[%get3A_57] {strides = array<i32>} : memref<64xi32, #tpu.memory_space<vmem>>, vector<16xi32>,
    %add3A_59 = arith.constant 40000 : i32
    %add3A_60 = vector.broadcast %add3A_59 : i32 to vector<16xi32>
    %add3A_61 = arith.addi %get3A_58, %add3A_60 : vector<16xi32>
    %swap3A_62 = arith.constant 0 : index
    %swap3A_63 = tpu.vector_load %arg12[%swap3A_62] {strides = array<i32>} : memref<64xi32, #tpu.memory_space<vmem>>, vector<16xi32>,
    tpu.vector_store %arg12[%swap3A_62], %add3A_61 {strides = array<i32>} : memref<64xi32, #tpu.memory_space<vmem>>, vector<16xi32>,
    %get3A_64 = arith.constant 16 : index
    %get3A_65 = tpu.vector_load %arg9[%get3A_64] {strides = array<i32>} : memref<64xi32, #tpu.memory_space<vmem>>, vector<16xi32>,
    %add3A_66 = arith.constant 40000 : i32
    %add3A_67 = vector.broadcast %add3A_66 : i32 to vector<16xi32>
    %add3A_68 = arith.addi %get3A_65, %add3A_67 : vector<16xi32>
    %swap3A_69 = arith.constant 16 : index
    %swap3A_70 = tpu.vector_load %arg12[%swap3A_69] {strides = array<i32>} : memref<64xi32, #tpu.memory_space<vmem>>, vector<16xi32>,
    tpu.vector_store %arg12[%swap3A_69], %add3A_68 {strides = array<i32>} : memref<64xi32, #tpu.memory_space<vmem>>, vector<16xi32>,
    %get3A_71 = arith.constant 32 : index
    %get3A_72 = tpu.vector_load %arg9[%get3A_71] {strides = array<i32>} : memref<64xi32, #tpu.memory_space<vmem>>, vector<16xi32>,
    %add3A_73 = arith.constant 40000 : i32
    %add3A_74 = vector.broadcast %add3A_73 : i32 to vector<16xi32>
    %add3A_75 = arith.addi %get3A_72, %add3A_74 : vector<16xi32>
    %swap3A_76 = arith.constant 32 : index
    %swap3A_77 = tpu.vector_load %arg12[%swap3A_76] {strides = array<i32>} : memref<64xi32, #tpu.memory_space<vmem>>, vector<16xi32>,
    tpu.vector_store %arg12[%swap3A_76], %add3A_75 {strides = array<i32>} : memref<64xi32, #tpu.memory_space<vmem>>, vector<16xi32>,
    %get3A_78 = arith.constant 48 : index
    %get3A_79 = tpu.vector_load %arg9[%get3A_78] {strides = array<i32>} : memref<64xi32, #tpu.memory_space<vmem>>, vector<16xi32>,
    %add3A_80 = arith.constant 40000 : i32
    %add3A_81 = vector.broadcast %add3A_80 : i32 to vector<16xi32>
    %add3A_82 = arith.addi %get3A_79, %add3A_81 : vector<16xi32>
    %swap3A_83 = arith.constant 48 : index
    %swap3A_84 = tpu.vector_load %arg12[%swap3A_83] {strides = array<i32>} : memref<64xi32, #tpu.memory_space<vmem>>, vector<16xi32>,
    tpu.vector_store %arg12[%swap3A_83], %add3A_82 {strides = array<i32>} : memref<64xi32, #tpu.memory_space<vmem>>, vector<16xi32>,
    %get3A_85 = arith.constant 0 : index
    %get3A_86 = tpu.vector_load %arg9[%get3A_85] {strides = array<i32>} : memref<64xi32, #tpu.memory_space<vmem>>, vector<16xi32>,
    %add3A_87 = arith.constant 60000 : i32
    %add3A_88 = vector.broadcast %add3A_87 : i32 to vector<16xi32>
    %add3A_89 = arith.addi %get3A_86, %add3A_88 : vector<16xi32>
    %swap3A_90 = arith.constant 0 : index
    %swap3A_91 = tpu.vector_load %arg13[%swap3A_90] {strides = array<i32>} : memref<64xi32, #tpu.memory_space<vmem>>, vector<16xi32>,
    tpu.vector_store %arg13[%swap3A_90], %add3A_89 {strides = array<i32>} : memref<64xi32, #tpu.memory_space<vmem>>, vector<16xi32>,
    %get3A_92 = arith.constant 16 : index
    %get3A_93 = tpu.vector_load %arg9[%get3A_92] {strides = array<i32>} : memref<64xi32, #tpu.memory_space<vmem>>, vector<16xi32>,
    %add3A_94 = arith.constant 60000 : i32
    %add3A_95 = vector.broadcast %add3A_94 : i32 to vector<16xi32>
    %add3A_96 = arith.addi %get3A_93, %add3A_95 : vector<16xi32>
    %swap3A_97 = arith.constant 16 : index
    %swap3A_98 = tpu.vector_load %arg13[%swap3A_97] {strides = array<i32>} : memref<64xi32, #tpu.memory_space<vmem>>, vector<16xi32>,
    tpu.vector_store %arg13[%swap3A_97], %add3A_96 {strides = array<i32>} : memref<64xi32, #tpu.memory_space<vmem>>, vector<16xi32>,
    %get3A_99 = arith.constant 32 : index
    %get3A_100 = tpu.vector_load %arg9[%get3A_99] {strides = array<i32>} : memref<64xi32, #tpu.memory_space<vmem>>, vector<16xi32>,
    %add3A_101 = arith.constant 60000 : i32
    %add3A_102 = vector.broadcast %add3A_101 : i32 to vector<16xi32>
    %add3A_103 = arith.addi %get3A_100, %add3A_102 : vector<16xi32>
    %swap3A_104 = arith.constant 32 : index
    %swap3A_105 = tpu.vector_load %arg13[%swap3A_104] {strides = array<i32>} : memref<64xi32, #tpu.memory_space<vmem>>, vector<16xi32>,
    tpu.vector_store %arg13[%swap3A_104], %add3A_103 {strides = array<i32>} : memref<64xi32, #tpu.memory_space<vmem>>, vector<16xi32>,
    %get3A_106 = arith.constant 48 : index
    %get3A_107 = tpu.vector_load %arg9[%get3A_106] {strides = array<i32>} : memref<64xi32, #tpu.memory_space<vmem>>, vector<16xi32>,
    %add3A_108 = arith.constant 60000 : i32
    %add3A_109 = vector.broadcast %add3A_108 : i32 to vector<16xi32>
    %add3A_110 = arith.addi %get3A_107, %add3A_109 : vector<16xi32>
    %swap3A_111 = arith.constant 48 : index
    %swap3A_112 = tpu.vector_load %arg13[%swap3A_111] {strides = array<i32>} : memref<64xi32, #tpu.memory_space<vmem>>, vector<16xi32>,
    tpu.vector_store %arg13[%swap3A_111], %add3A_110 {strides = array<i32>} : memref<64xi32, #tpu.memory_space<vmem>>, vector<16xi32>,
    %get3A_113 = arith.constant 0 : index
    %get3A_114 = tpu.vector_load %arg9[%get3A_113] {strides = array<i32>} : memref<64xi32, #tpu.memory_space<vmem>>, vector<16xi32>,
    %add3A_115 = arith.constant 80000 : i32
    %add3A_116 = vector.broadcast %add3A_115 : i32 to vector<16xi32>
    %add3A_117 = arith.addi %get3A_114, %add3A_116 : vector<16xi32>
    %swap3A_118 = arith.constant 0 : index
    %swap3A_119 = tpu.vector_load %arg14[%swap3A_118] {strides = array<i32>} : memref<64xi32, #tpu.memory_space<vmem>>, vector<16xi32>,
    tpu.vector_store %arg14[%swap3A_118], %add3A_117 {strides = array<i32>} : memref<64xi32, #tpu.memory_space<vmem>>, vector<16xi32>,
    %get3A_120 = arith.constant 16 : index
    %get3A_121 = tpu.vector_load %arg9[%get3A_120] {strides = array<i32>} : memref<64xi32, #tpu.memory_space<vmem>>, vector<16xi32>,
    %add3A_122 = arith.constant 80000 : i32
    %add3A_123 = vector.broadcast %add3A_122 : i32 to vector<16xi32>
    %add3A_124 = arith.addi %get3A_121, %add3A_123 : vector<16xi32>
    %swap3A_125 = arith.constant 16 : index
    %swap3A_126 = tpu.vector_load %arg14[%swap3A_125] {strides = array<i32>} : memref<64xi32, #tpu.memory_space<vmem>>, vector<16xi32>,
    tpu.vector_store %arg14[%swap3A_125], %add3A_124 {strides = array<i32>} : memref<64xi32, #tpu.memory_space<vmem>>, vector<16xi32>,
    %get3A_127 = arith.constant 32 : index
    %get3A_128 = tpu.vector_load %arg9[%get3A_127] {strides = array<i32>} : memref<64xi32, #tpu.memory_space<vmem>>, vector<16xi32>,
    %add3A_129 = arith.constant 80000 : i32
    %add3A_130 = vector.broadcast %add3A_129 : i32 to vector<16xi32>
    %add3A_131 = arith.addi %get3A_128, %add3A_130 : vector<16xi32>
    %swap3A_132 = arith.constant 32 : index
    %swap3A_133 = tpu.vector_load %arg14[%swap3A_132] {strides = array<i32>} : memref<64xi32, #tpu.memory_space<vmem>>, vector<16xi32>,
    tpu.vector_store %arg14[%swap3A_132], %add3A_131 {strides = array<i32>} : memref<64xi32, #tpu.memory_space<vmem>>, vector<16xi32>,
    %get3A_134 = arith.constant 48 : index
    %get3A_135 = tpu.vector_load %arg9[%get3A_134] {strides = array<i32>} : memref<64xi32, #tpu.memory_space<vmem>>, vector<16xi32>,
    %add3A_136 = arith.constant 80000 : i32
    %add3A_137 = vector.broadcast %add3A_136 : i32 to vector<16xi32>
    %add3A_138 = arith.addi %get3A_135, %add3A_137 : vector<16xi32>
    %swap3A_139 = arith.constant 48 : index
    %swap3A_140 = tpu.vector_load %arg14[%swap3A_139] {strides = array<i32>} : memref<64xi32, #tpu.memory_space<vmem>>, vector<16xi32>,
    tpu.vector_store %arg14[%swap3A_139], %add3A_138 {strides = array<i32>} : memref<64xi32, #tpu.memory_space<vmem>>, vector<16xi32>,
    %dma_start3A = arith.constant 0 : i32
    %dma_start3A_141 = tpu.memref_slice %arg2[%dma_start3A] : memref<100000xf32, #tpu.memory_space<hbm>> -> memref<100000xf32, #tpu.memory_space<hbm>>
    tpu.enqueue_indirect_dma source(%dma_start3A_141 : memref<100000xf32, #tpu.memory_space<hbm>>) target(%arg15 : memref<64xf32, #tpu.memory_space<vmem>>) offsets(%arg10 : memref<64xi32, #tpu.memory_space<vmem>>) semaphore(%arg20 : memref<!tpu.dma_semaphore, #tpu.memory_space<semaphore_mem>>)
    %dma_start3A_142 = arith.constant 0 : i32
    %dma_start3A_143 = tpu.memref_slice %arg2[%dma_start3A_142] : memref<100000xf32, #tpu.memory_space<hbm>> -> memref<100000xf32, #tpu.memory_space<hbm>>
    tpu.enqueue_indirect_dma source(%dma_start3A_143 : memref<100000xf32, #tpu.memory_space<hbm>>) target(%arg16 : memref<64xf32, #tpu.memory_space<vmem>>) offsets(%arg11 : memref<64xi32, #tpu.memory_space<vmem>>) semaphore(%arg20 : memref<!tpu.dma_semaphore, #tpu.memory_space<semaphore_mem>>)
    %dma_start3A_144 = arith.constant 0 : i32
    %dma_start3A_145 = tpu.memref_slice %arg2[%dma_start3A_144] : memref<100000xf32, #tpu.memory_space<hbm>> -> memref<100000xf32, #tpu.memory_space<hbm>>
    tpu.enqueue_indirect_dma source(%dma_start3A_145 : memref<100000xf32, #tpu.memory_space<hbm>>) target(%arg17 : memref<64xf32, #tpu.memory_space<vmem>>) offsets(%arg12 : memref<64xi32, #tpu.memory_space<vmem>>) semaphore(%arg20 : memref<!tpu.dma_semaphore, #tpu.memory_space<semaphore_mem>>)
    %dma_start3A_146 = arith.constant 0 : i32
    %dma_start3A_147 = tpu.memref_slice %arg2[%dma_start3A_146] : memref<100000xf32, #tpu.memory_space<hbm>> -> memref<100000xf32, #tpu.memory_space<hbm>>
    tpu.enqueue_indirect_dma source(%dma_start3A_147 : memref<100000xf32, #tpu.memory_space<hbm>>) target(%arg18 : memref<64xf32, #tpu.memory_space<vmem>>) offsets(%arg13 : memref<64xi32, #tpu.memory_space<vmem>>) semaphore(%arg20 : memref<!tpu.dma_semaphore, #tpu.memory_space<semaphore_mem>>)
    %dma_start3A_148 = arith.constant 0 : i32
    %dma_start3A_149 = tpu.memref_slice %arg2[%dma_start3A_148] : memref<100000xf32, #tpu.memory_space<hbm>> -> memref<100000xf32, #tpu.memory_space<hbm>>
    tpu.enqueue_indirect_dma source(%dma_start3A_149 : memref<100000xf32, #tpu.memory_space<hbm>>) target(%arg19 : memref<64xf32, #tpu.memory_space<vmem>>) offsets(%arg14 : memref<64xi32, #tpu.memory_space<vmem>>) semaphore(%arg20 : memref<!tpu.dma_semaphore, #tpu.memory_space<semaphore_mem>>)
    %dma_wait3A = arith.constant 0 : i32
    %dma_wait3A_150 = tpu.memref_slice %arg2[%dma_wait3A] : memref<100000xf32, #tpu.memory_space<hbm>> -> memref<100000xf32, #tpu.memory_space<hbm>>
    tpu.wait_indirect_dma semaphore(%arg20 : memref<!tpu.dma_semaphore, #tpu.memory_space<semaphore_mem>>) src(%dma_wait3A_150 : memref<100000xf32, #tpu.memory_space<hbm>>) dst(%arg15 : memref<64xf32, #tpu.memory_space<vmem>>)
    "tpu.region"() ({
      %run_scoped3A = tpu.sem_alloc : memref<!tpu.dma_semaphore, #tpu.memory_space<semaphore_mem>>
      %dma_start3A_159 = tpu.memref_slice %arg4[%mul3A_2] : memref<2048xf32, #tpu.memory_space<hbm>> -> memref<64xf32, #tpu.memory_space<hbm>>
      %dma_start3A_160 = tpu.memref_slice %arg4[%mul3A_2] : memref<2048xf32, #tpu.memory_space<hbm>> -> memref<64xf32, #tpu.memory_space<hbm>>
      tpu.enqueue_dma source(%arg15 : memref<64xf32, #tpu.memory_space<vmem>>) target(%dma_start3A_160 : memref<64xf32, #tpu.memory_space<hbm>>) target_semaphore(%run_scoped3A : memref<!tpu.dma_semaphore, #tpu.memory_space<semaphore_mem>>)
      %dma_wait3A_161 = tpu.memref_slice %arg4[%mul3A_2] : memref<2048xf32, #tpu.memory_space<hbm>> -> memref<64xf32, #tpu.memory_space<hbm>>
      %dma_wait3A_162 = tpu.memref_slice %arg4[%mul3A_2] : memref<2048xf32, #tpu.memory_space<hbm>> -> memref<64xf32, #tpu.memory_space<hbm>>
      tpu.wait_dma2 semaphore(%run_scoped3A : memref<!tpu.dma_semaphore, #tpu.memory_space<semaphore_mem>>) src(%arg15 : memref<64xf32, #tpu.memory_space<vmem>>) dst(%dma_wait3A_162 : memref<64xf32, #tpu.memory_space<hbm>>)
      tpu.yield
    }) : () -> ()
    %dma_wait3A_151 = arith.constant 0 : i32
    %dma_wait3A_152 = tpu.memref_slice %arg2[%dma_wait3A_151] : memref<100000xf32, #tpu.memory_space<hbm>> -> memref<100000xf32, #tpu.memory_space<hbm>>
    tpu.wait_indirect_dma semaphore(%arg20 : memref<!tpu.dma_semaphore, #tpu.memory_space<semaphore_mem>>) src(%dma_wait3A_152 : memref<100000xf32, #tpu.memory_space<hbm>>) dst(%arg16 : memref<64xf32, #tpu.memory_space<vmem>>)
    "tpu.region"() ({
      %run_scoped3A = tpu.sem_alloc : memref<!tpu.dma_semaphore, #tpu.memory_space<semaphore_mem>>
      %dma_start3A_159 = tpu.memref_slice %arg5[%mul3A_2] : memref<2048xf32, #tpu.memory_space<hbm>> -> memref<64xf32, #tpu.memory_space<hbm>>
      %dma_start3A_160 = tpu.memref_slice %arg5[%mul3A_2] : memref<2048xf32, #tpu.memory_space<hbm>> -> memref<64xf32, #tpu.memory_space<hbm>>
      tpu.enqueue_dma source(%arg16 : memref<64xf32, #tpu.memory_space<vmem>>) target(%dma_start3A_160 : memref<64xf32, #tpu.memory_space<hbm>>) target_semaphore(%run_scoped3A : memref<!tpu.dma_semaphore, #tpu.memory_space<semaphore_mem>>)
      %dma_wait3A_161 = tpu.memref_slice %arg5[%mul3A_2] : memref<2048xf32, #tpu.memory_space<hbm>> -> memref<64xf32, #tpu.memory_space<hbm>>
      %dma_wait3A_162 = tpu.memref_slice %arg5[%mul3A_2] : memref<2048xf32, #tpu.memory_space<hbm>> -> memref<64xf32, #tpu.memory_space<hbm>>
      tpu.wait_dma2 semaphore(%run_scoped3A : memref<!tpu.dma_semaphore, #tpu.memory_space<semaphore_mem>>) src(%arg16 : memref<64xf32, #tpu.memory_space<vmem>>) dst(%dma_wait3A_162 : memref<64xf32, #tpu.memory_space<hbm>>)
      tpu.yield
    }) : () -> ()
    %dma_wait3A_153 = arith.constant 0 : i32
    %dma_wait3A_154 = tpu.memref_slice %arg2[%dma_wait3A_153] : memref<100000xf32, #tpu.memory_space<hbm>> -> memref<100000xf32, #tpu.memory_space<hbm>>
    tpu.wait_indirect_dma semaphore(%arg20 : memref<!tpu.dma_semaphore, #tpu.memory_space<semaphore_mem>>) src(%dma_wait3A_154 : memref<100000xf32, #tpu.memory_space<hbm>>) dst(%arg17 : memref<64xf32, #tpu.memory_space<vmem>>)
    "tpu.region"() ({
      %run_scoped3A = tpu.sem_alloc : memref<!tpu.dma_semaphore, #tpu.memory_space<semaphore_mem>>
      %dma_start3A_159 = tpu.memref_slice %arg6[%mul3A_2] : memref<2048xf32, #tpu.memory_space<hbm>> -> memref<64xf32, #tpu.memory_space<hbm>>
      %dma_start3A_160 = tpu.memref_slice %arg6[%mul3A_2] : memref<2048xf32, #tpu.memory_space<hbm>> -> memref<64xf32, #tpu.memory_space<hbm>>
      tpu.enqueue_dma source(%arg17 : memref<64xf32, #tpu.memory_space<vmem>>) target(%dma_start3A_160 : memref<64xf32, #tpu.memory_space<hbm>>) target_semaphore(%run_scoped3A : memref<!tpu.dma_semaphore, #tpu.memory_space<semaphore_mem>>)
      %dma_wait3A_161 = tpu.memref_slice %arg6[%mul3A_2] : memref<2048xf32, #tpu.memory_space<hbm>> -> memref<64xf32, #tpu.memory_space<hbm>>
      %dma_wait3A_162 = tpu.memref_slice %arg6[%mul3A_2] : memref<2048xf32, #tpu.memory_space<hbm>> -> memref<64xf32, #tpu.memory_space<hbm>>
      tpu.wait_dma2 semaphore(%run_scoped3A : memref<!tpu.dma_semaphore, #tpu.memory_space<semaphore_mem>>) src(%arg17 : memref<64xf32, #tpu.memory_space<vmem>>) dst(%dma_wait3A_162 : memref<64xf32, #tpu.memory_space<hbm>>)
      tpu.yield
    }) : () -> ()
    %dma_wait3A_155 = arith.constant 0 : i32
    %dma_wait3A_156 = tpu.memref_slice %arg2[%dma_wait3A_155] : memref<100000xf32, #tpu.memory_space<hbm>> -> memref<100000xf32, #tpu.memory_space<hbm>>
    tpu.wait_indirect_dma semaphore(%arg20 : memref<!tpu.dma_semaphore, #tpu.memory_space<semaphore_mem>>) src(%dma_wait3A_156 : memref<100000xf32, #tpu.memory_space<hbm>>) dst(%arg18 : memref<64xf32, #tpu.memory_space<vmem>>)
    "tpu.region"() ({
      %run_scoped3A = tpu.sem_alloc : memref<!tpu.dma_semaphore, #tpu.memory_space<semaphore_mem>>
      %dma_start3A_159 = tpu.memref_slice %arg7[%mul3A_2] : memref<2048xf32, #tpu.memory_space<hbm>> -> memref<64xf32, #tpu.memory_space<hbm>>
      %dma_start3A_160 = tpu.memref_slice %arg7[%mul3A_2] : memref<2048xf32, #tpu.memory_space<hbm>> -> memref<64xf32, #tpu.memory_space<hbm>>
      tpu.enqueue_dma source(%arg18 : memref<64xf32, #tpu.memory_space<vmem>>) target(%dma_start3A_160 : memref<64xf32, #tpu.memory_space<hbm>>) target_semaphore(%run_scoped3A : memref<!tpu.dma_semaphore, #tpu.memory_space<semaphore_mem>>)
      %dma_wait3A_161 = tpu.memref_slice %arg7[%mul3A_2] : memref<2048xf32, #tpu.memory_space<hbm>> -> memref<64xf32, #tpu.memory_space<hbm>>
      %dma_wait3A_162 = tpu.memref_slice %arg7[%mul3A_2] : memref<2048xf32, #tpu.memory_space<hbm>> -> memref<64xf32, #tpu.memory_space<hbm>>
      tpu.wait_dma2 semaphore(%run_scoped3A : memref<!tpu.dma_semaphore, #tpu.memory_space<semaphore_mem>>) src(%arg18 : memref<64xf32, #tpu.memory_space<vmem>>) dst(%dma_wait3A_162 : memref<64xf32, #tpu.memory_space<hbm>>)
      tpu.yield
    }) : () -> ()
    %dma_wait3A_157 = arith.constant 0 : i32
    %dma_wait3A_158 = tpu.memref_slice %arg2[%dma_wait3A_157] : memref<100000xf32, #tpu.memory_space<hbm>> -> memref<100000xf32, #tpu.memory_space<hbm>>
    tpu.wait_indirect_dma semaphore(%arg20 : memref<!tpu.dma_semaphore, #tpu.memory_space<semaphore_mem>>) src(%dma_wait3A_158 : memref<100000xf32, #tpu.memory_space<hbm>>) dst(%arg19 : memref<64xf32, #tpu.memory_space<vmem>>)
    "tpu.region"() ({
      %run_scoped3A = tpu.sem_alloc : memref<!tpu.dma_semaphore, #tpu.memory_space<semaphore_mem>>
      %dma_start3A_159 = tpu.memref_slice %arg8[%mul3A_2] : memref<2048xf32, #tpu.memory_space<hbm>> -> memref<64xf32, #tpu.memory_space<hbm>>
      %dma_start3A_160 = tpu.memref_slice %arg8[%mul3A_2] : memref<2048xf32, #tpu.memory_space<hbm>> -> memref<64xf32, #tpu.memory_space<hbm>>
      tpu.enqueue_dma source(%arg19 : memref<64xf32, #tpu.memory_space<vmem>>) target(%dma_start3A_160 : memref<64xf32, #tpu.memory_space<hbm>>) target_semaphore(%run_scoped3A : memref<!tpu.dma_semaphore, #tpu.memory_space<semaphore_mem>>)
      %dma_wait3A_161 = tpu.memref_slice %arg8[%mul3A_2] : memref<2048xf32, #tpu.memory_space<hbm>> -> memref<64xf32, #tpu.memory_space<hbm>>
      %dma_wait3A_162 = tpu.memref_slice %arg8[%mul3A_2] : memref<2048xf32, #tpu.memory_space<hbm>> -> memref<64xf32, #tpu.memory_space<hbm>>
      tpu.wait_dma2 semaphore(%run_scoped3A : memref<!tpu.dma_semaphore, #tpu.memory_space<semaphore_mem>>) src(%arg19 : memref<64xf32, #tpu.memory_space<vmem>>) dst(%dma_wait3A_162 : memref<64xf32, #tpu.memory_space<hbm>>)
      tpu.yield
    }) : () -> ()
    return
  }
}

module attributes {stable_mosaic.version = 14 : i64} {
  func.func @_nms_body(%arg0: i32, %arg1: memref<16x128xf32, #tpu.memory_space<vmem>>, %arg2: memref<16x128xf32, #tpu.memory_space<vmem>>, %arg3: memref<16x128xf32, #tpu.memory_space<vmem>>, %arg4: memref<16x128xf32, #tpu.memory_space<vmem>>, %arg5: memref<16x128xf32, #tpu.memory_space<vmem>>, %arg6: memref<304x8xf32, #tpu.memory_space<vmem>>, %arg7: memref<16x128xf32, #tpu.memory_space<vmem>>, %arg8: memref<16x128xf32, #tpu.memory_space<vmem>>, %arg9: memref<16x128xf32, #tpu.memory_space<vmem>>, %arg10: memref<16x128xf32, #tpu.memory_space<vmem>>, %arg11: memref<16x128xf32, #tpu.memory_space<vmem>>, %arg12: memref<16x128xf32, #tpu.memory_space<vmem>>, %arg13: memref<1xi32, #tpu.memory_space<smem>>) attributes {dimension_semantics = [#tpu.dimension_semantics<arbitrary>], iteration_bounds = array<i64: 16>, scalar_prefetch = 0 : i64, scratch_operands = 7 : i64, tpu.core_type = #tpu.core_type<tc>, window_params = [{pipeline_mode = #tpu.pipeline_mode<synchronous>, transform_indices = @transform_0, window_bounds = array<i64: 16, 128>}, {pipeline_mode = #tpu.pipeline_mode<synchronous>, transform_indices = @transform_1, window_bounds = array<i64: 16, 128>}, {pipeline_mode = #tpu.pipeline_mode<synchronous>, transform_indices = @transform_2, window_bounds = array<i64: 16, 128>}, {pipeline_mode = #tpu.pipeline_mode<synchronous>, transform_indices = @transform_3, window_bounds = array<i64: 16, 128>}, {pipeline_mode = #tpu.pipeline_mode<synchronous>, transform_indices = @transform_4, window_bounds = array<i64: 16, 128>}, {pipeline_mode = #tpu.pipeline_mode<synchronous>, transform_indices = @transform_5, window_bounds = array<i64: 304, 8>}]} {
    %eq3A = arith.constant 0 : i32
    %eq3A_0 = arith.cmpi eq, %arg0, %eq3A : i32
    %convert_element_type3A = arith.extui %eq3A_0 : i1 to i32
    %cond3A = arith.constant 0 : i32
    %cond3A_1 = arith.cmpi ne, %convert_element_type3A, %cond3A : i32
    scf.if %cond3A_1 {
      %get3A_12 = arith.constant 0 : index
      %get3A_13 = arith.constant 0 : index
      %get3A_14 = vector.load %arg1[%get3A_12, %get3A_13] : memref<16x128xf32, #tpu.memory_space<vmem>>, vector<16x128xf32>
      %get3A_15 = arith.constant 0 : index
      %get3A_16 = arith.constant 0 : index
      %get3A_17 = vector.load %arg2[%get3A_15, %get3A_16] : memref<16x128xf32, #tpu.memory_space<vmem>>, vector<16x128xf32>
      %get3A_18 = arith.constant 0 : index
      %get3A_19 = arith.constant 0 : index
      %get3A_20 = vector.load %arg3[%get3A_18, %get3A_19] : memref<16x128xf32, #tpu.memory_space<vmem>>, vector<16x128xf32>
      %mul3A = arith.constant 5.000000e-01 : f32
      %mul3A_21 = vector.broadcast %mul3A : f32 to vector<16x128xf32>
      %mul3A_22 = arith.mulf %get3A_20, %mul3A_21 : vector<16x128xf32>
      %get3A_23 = arith.constant 0 : index
      %get3A_24 = arith.constant 0 : index
      %get3A_25 = vector.load %arg4[%get3A_23, %get3A_24] : memref<16x128xf32, #tpu.memory_space<vmem>>, vector<16x128xf32>
      %mul3A_26 = arith.constant 5.000000e-01 : f32
      %mul3A_27 = vector.broadcast %mul3A_26 : f32 to vector<16x128xf32>
      %mul3A_28 = arith.mulf %get3A_25, %mul3A_27 : vector<16x128xf32>
      %sub3A = arith.subf %get3A_14, %mul3A_22 : vector<16x128xf32>
      %swap3A = arith.constant 0 : index
      %swap3A_29 = arith.constant 0 : index
      %swap3A_30 = vector.load %arg8[%swap3A, %swap3A_29] : memref<16x128xf32, #tpu.memory_space<vmem>>, vector<16x128xf32>
      tpu.vector_store %arg8[%swap3A, %swap3A_29], %sub3A {strides = array<i32>} : memref<16x128xf32, #tpu.memory_space<vmem>>, vector<16x128xf32>,
      %sub3A_31 = arith.subf %get3A_17, %mul3A_28 : vector<16x128xf32>
      %swap3A_32 = arith.constant 0 : index
      %swap3A_33 = arith.constant 0 : index
      %swap3A_34 = vector.load %arg9[%swap3A_32, %swap3A_33] : memref<16x128xf32, #tpu.memory_space<vmem>>, vector<16x128xf32>
      tpu.vector_store %arg9[%swap3A_32, %swap3A_33], %sub3A_31 {strides = array<i32>} : memref<16x128xf32, #tpu.memory_space<vmem>>, vector<16x128xf32>,
      %add3A = arith.addf %get3A_14, %mul3A_22 : vector<16x128xf32>
      %swap3A_35 = arith.constant 0 : index
      %swap3A_36 = arith.constant 0 : index
      %swap3A_37 = vector.load %arg10[%swap3A_35, %swap3A_36] : memref<16x128xf32, #tpu.memory_space<vmem>>, vector<16x128xf32>
      tpu.vector_store %arg10[%swap3A_35, %swap3A_36], %add3A {strides = array<i32>} : memref<16x128xf32, #tpu.memory_space<vmem>>, vector<16x128xf32>,
      %add3A_38 = arith.addf %get3A_17, %mul3A_28 : vector<16x128xf32>
      %swap3A_39 = arith.constant 0 : index
      %swap3A_40 = arith.constant 0 : index
      %swap3A_41 = vector.load %arg11[%swap3A_39, %swap3A_40] : memref<16x128xf32, #tpu.memory_space<vmem>>, vector<16x128xf32>
      tpu.vector_store %arg11[%swap3A_39, %swap3A_40], %add3A_38 {strides = array<i32>} : memref<16x128xf32, #tpu.memory_space<vmem>>, vector<16x128xf32>,
      %get3A_42 = arith.constant 0 : index
      %get3A_43 = arith.constant 0 : index
      %get3A_44 = vector.load %arg10[%get3A_42, %get3A_43] : memref<16x128xf32, #tpu.memory_space<vmem>>, vector<16x128xf32>
      %get3A_45 = arith.constant 0 : index
      %get3A_46 = arith.constant 0 : index
      %get3A_47 = vector.load %arg8[%get3A_45, %get3A_46] : memref<16x128xf32, #tpu.memory_space<vmem>>, vector<16x128xf32>
      %sub3A_48 = arith.subf %get3A_44, %get3A_47 : vector<16x128xf32>
      %get3A_49 = arith.constant 0 : index
      %get3A_50 = arith.constant 0 : index
      %get3A_51 = vector.load %arg11[%get3A_49, %get3A_50] : memref<16x128xf32, #tpu.memory_space<vmem>>, vector<16x128xf32>
      %get3A_52 = arith.constant 0 : index
      %get3A_53 = arith.constant 0 : index
      %get3A_54 = vector.load %arg9[%get3A_52, %get3A_53] : memref<16x128xf32, #tpu.memory_space<vmem>>, vector<16x128xf32>
      %sub3A_55 = arith.subf %get3A_51, %get3A_54 : vector<16x128xf32>
      %mul3A_56 = arith.mulf %sub3A_48, %sub3A_55 : vector<16x128xf32>
      %swap3A_57 = arith.constant 0 : index
      %swap3A_58 = arith.constant 0 : index
      %swap3A_59 = vector.load %arg12[%swap3A_57, %swap3A_58] : memref<16x128xf32, #tpu.memory_space<vmem>>, vector<16x128xf32>
      tpu.vector_store %arg12[%swap3A_57, %swap3A_58], %mul3A_56 {strides = array<i32>} : memref<16x128xf32, #tpu.memory_space<vmem>>, vector<16x128xf32>,
      %broadcast_in_dim3A = arith.constant 0.000000e+00 : f32
      %broadcast_in_dim3A_60 = vector.broadcast %broadcast_in_dim3A : f32 to vector<16x128xf32>
      %swap3A_61 = arith.constant 0 : index
      %swap3A_62 = arith.constant 0 : index
      %swap3A_63 = vector.load %arg7[%swap3A_61, %swap3A_62] : memref<16x128xf32, #tpu.memory_space<vmem>>, vector<16x128xf32>
      tpu.vector_store %arg7[%swap3A_61, %swap3A_62], %broadcast_in_dim3A_60 {strides = array<i32>} : memref<16x128xf32, #tpu.memory_space<vmem>>, vector<16x128xf32>,
      %swap3A_64 = arith.constant 0 : i32
      %swap3A_65 = arith.constant 0 : index
      %swap3A_66 = memref.load %arg13[%swap3A_65] : memref<1xi32, #tpu.memory_space<smem>>
      memref.store %swap3A_64, %arg13[%swap3A_65] : memref<1xi32, #tpu.memory_space<smem>>
    } else {
    }
    %get3A = arith.constant 0 : index
    %get3A_2 = memref.load %arg13[%get3A] : memref<1xi32, #tpu.memory_space<smem>>
    %lt3A = arith.constant 300 : i32
    %lt3A_3 = arith.cmpi slt, %get3A_2, %lt3A : i32
    %convert_element_type3A_4 = arith.extui %lt3A_3 : i1 to i32
    %cond3A_5 = arith.constant 0 : i32
    %cond3A_6 = arith.cmpi ne, %convert_element_type3A_4, %cond3A_5 : i32
    scf.if %cond3A_6 {
      %iota3A = tpu.iota {dimensions = array<i32: 0>} : vector<128x128xi32>
      %iota3A_12 = tpu.iota {dimensions = array<i32: 1>} : vector<128x128xi32>
      %eq3A_13 = arith.cmpi eq, %iota3A, %iota3A_12 : vector<128x128xi32>
      %convert_element_type3A_14 = arith.extui %eq3A_13 : vector<128x128xi1> to vector<128x128xi32>
      %convert_element_type3A_15 = arith.sitofp %convert_element_type3A_14 : vector<128x128xi32> to vector<128x128xf32>
      %get3A_16 = arith.index_cast %arg0 : i32 to index
      %get3A_17 = arith.constant 0 : index
      %get3A_18 = vector.load %arg8[%get3A_16, %get3A_17] : memref<16x128xf32, #tpu.memory_space<vmem>>, vector<1x128xf32>
      %get3A_19 = arith.index_cast %arg0 : i32 to index
      %get3A_20 = arith.constant 0 : index
      %get3A_21 = vector.load %arg9[%get3A_19, %get3A_20] : memref<16x128xf32, #tpu.memory_space<vmem>>, vector<1x128xf32>
      %get3A_22 = arith.index_cast %arg0 : i32 to index
      %get3A_23 = arith.constant 0 : index
      %get3A_24 = vector.load %arg10[%get3A_22, %get3A_23] : memref<16x128xf32, #tpu.memory_space<vmem>>, vector<1x128xf32>
      %get3A_25 = arith.index_cast %arg0 : i32 to index
      %get3A_26 = arith.constant 0 : index
      %get3A_27 = vector.load %arg11[%get3A_25, %get3A_26] : memref<16x128xf32, #tpu.memory_space<vmem>>, vector<1x128xf32>
      %get3A_28 = arith.index_cast %arg0 : i32 to index
      %get3A_29 = arith.constant 0 : index
      %get3A_30 = vector.load %arg12[%get3A_28, %get3A_29] : memref<16x128xf32, #tpu.memory_space<vmem>>, vector<1x128xf32>
      %dot_general3A = arith.constant dense<0.000000e+00> : vector<128x1xf32>
      %dot_general3A_31 = tpu.matmul %convert_element_type3A_15, %get3A_18, %dot_general3A {dimension_numbers = #tpu.dot_dimension_numbers<[1], [1], [0], [0], [0, 0, 1, 0], [], []>, precision = #tpu.contract_precision<fp32>, transpose_lhs_hint = false} : vector<128x128xf32>, vector<1x128xf32>, vector<128x1xf32> -> vector<128x1xf32>
      %dot_general3A_32 = arith.constant dense<0.000000e+00> : vector<128x1xf32>
      %dot_general3A_33 = tpu.matmul %convert_element_type3A_15, %get3A_21, %dot_general3A_32 {dimension_numbers = #tpu.dot_dimension_numbers<[1], [1], [0], [0], [0, 0, 1, 0], [], []>, precision = #tpu.contract_precision<fp32>, transpose_lhs_hint = false} : vector<128x128xf32>, vector<1x128xf32>, vector<128x1xf32> -> vector<128x1xf32>
      %dot_general3A_34 = arith.constant dense<0.000000e+00> : vector<128x1xf32>
      %dot_general3A_35 = tpu.matmul %convert_element_type3A_15, %get3A_24, %dot_general3A_34 {dimension_numbers = #tpu.dot_dimension_numbers<[1], [1], [0], [0], [0, 0, 1, 0], [], []>, precision = #tpu.contract_precision<fp32>, transpose_lhs_hint = false} : vector<128x128xf32>, vector<1x128xf32>, vector<128x1xf32> -> vector<128x1xf32>
      %dot_general3A_36 = arith.constant dense<0.000000e+00> : vector<128x1xf32>
      %dot_general3A_37 = tpu.matmul %convert_element_type3A_15, %get3A_27, %dot_general3A_36 {dimension_numbers = #tpu.dot_dimension_numbers<[1], [1], [0], [0], [0, 0, 1, 0], [], []>, precision = #tpu.contract_precision<fp32>, transpose_lhs_hint = false} : vector<128x128xf32>, vector<1x128xf32>, vector<128x1xf32> -> vector<128x1xf32>
      %dot_general3A_38 = arith.constant dense<0.000000e+00> : vector<128x1xf32>
      %dot_general3A_39 = tpu.matmul %convert_element_type3A_15, %get3A_30, %dot_general3A_38 {dimension_numbers = #tpu.dot_dimension_numbers<[1], [1], [0], [0], [0, 0, 1, 0], [], []>, precision = #tpu.contract_precision<fp32>, transpose_lhs_hint = false} : vector<128x128xf32>, vector<1x128xf32>, vector<128x1xf32> -> vector<128x1xf32>
      %broadcast_in_dim3A = arith.constant 0.000000e+00 : f32
      %broadcast_in_dim3A_40 = vector.broadcast %broadcast_in_dim3A : f32 to vector<128x1xf32>
      %while3A = arith.constant 0 : i32
      %while3A_41 = arith.subi %arg0, %while3A : i32
      %while3A_42 = arith.addi %while3A, %while3A_41 : i32
      %while3A_43 = arith.constant 1 : i32
      %while3A_44 = arith.divsi %while3A_41, %while3A_43 : i32
      %while3A_45 = arith.muli %while3A_44, %while3A_43 : i32
      %while3A_46 = arith.addi %while3A, %while3A_45 : i32
      %while3A_47 = arith.constant 1 : i32
      %while3A_48 = scf.for %while3A_107 = %while3A to %while3A_46 step %while3A_47 iter_args(%while3A_108 = %broadcast_in_dim3A_40) -> (vector<128x1xf32>)  : i32 {
        %get3A_109 = arith.index_cast %while3A_107 : i32 to index
        %get3A_110 = arith.constant 0 : index
        %get3A_111 = vector.load %arg8[%get3A_109, %get3A_110] : memref<16x128xf32, #tpu.memory_space<vmem>>, vector<1x128xf32>
        %get3A_112 = arith.index_cast %while3A_107 : i32 to index
        %get3A_113 = arith.constant 0 : index
        %get3A_114 = vector.load %arg9[%get3A_112, %get3A_113] : memref<16x128xf32, #tpu.memory_space<vmem>>, vector<1x128xf32>
        %get3A_115 = arith.index_cast %while3A_107 : i32 to index
        %get3A_116 = arith.constant 0 : index
        %get3A_117 = vector.load %arg10[%get3A_115, %get3A_116] : memref<16x128xf32, #tpu.memory_space<vmem>>, vector<1x128xf32>
        %get3A_118 = arith.index_cast %while3A_107 : i32 to index
        %get3A_119 = arith.constant 0 : index
        %get3A_120 = vector.load %arg11[%get3A_118, %get3A_119] : memref<16x128xf32, #tpu.memory_space<vmem>>, vector<1x128xf32>
        %get3A_121 = arith.index_cast %while3A_107 : i32 to index
        %get3A_122 = arith.constant 0 : index
        %get3A_123 = vector.load %arg12[%get3A_121, %get3A_122] : memref<16x128xf32, #tpu.memory_space<vmem>>, vector<1x128xf32>
        %get3A_124 = arith.index_cast %while3A_107 : i32 to index
        %get3A_125 = arith.constant 0 : index
        %get3A_126 = vector.load %arg7[%get3A_124, %get3A_125] : memref<16x128xf32, #tpu.memory_space<vmem>>, vector<1x128xf32>
        %max3A_127 = vector.broadcast %dot_general3A_31 : vector<128x1xf32> to vector<128x128xf32>
        %max3A_128 = vector.broadcast %get3A_111 : vector<1x128xf32> to vector<128x128xf32>
        %max3A_129 = arith.maximumf %max3A_127, %max3A_128 : vector<128x128xf32>
        %max3A_130 = vector.broadcast %dot_general3A_33 : vector<128x1xf32> to vector<128x128xf32>
        %max3A_131 = vector.broadcast %get3A_114 : vector<1x128xf32> to vector<128x128xf32>
        %max3A_132 = arith.maximumf %max3A_130, %max3A_131 : vector<128x128xf32>
        %min3A_133 = vector.broadcast %dot_general3A_35 : vector<128x1xf32> to vector<128x128xf32>
        %min3A_134 = vector.broadcast %get3A_117 : vector<1x128xf32> to vector<128x128xf32>
        %min3A_135 = arith.minimumf %min3A_133, %min3A_134 : vector<128x128xf32>
        %min3A_136 = vector.broadcast %dot_general3A_37 : vector<128x1xf32> to vector<128x128xf32>
        %min3A_137 = vector.broadcast %get3A_120 : vector<1x128xf32> to vector<128x128xf32>
        %min3A_138 = arith.minimumf %min3A_136, %min3A_137 : vector<128x128xf32>
        %sub3A_139 = arith.subf %min3A_135, %max3A_129 : vector<128x128xf32>
        %max3A_140 = arith.constant 0.000000e+00 : f32
        %max3A_141 = vector.broadcast %max3A_140 : f32 to vector<128x128xf32>
        %max3A_142 = arith.maximumf %sub3A_139, %max3A_141 : vector<128x128xf32>
        %sub3A_143 = arith.subf %min3A_138, %max3A_132 : vector<128x128xf32>
        %max3A_144 = arith.constant 0.000000e+00 : f32
        %max3A_145 = vector.broadcast %max3A_144 : f32 to vector<128x128xf32>
        %max3A_146 = arith.maximumf %sub3A_143, %max3A_145 : vector<128x128xf32>
        %mul3A_147 = arith.mulf %max3A_142, %max3A_146 : vector<128x128xf32>
        %add3A_148 = vector.broadcast %dot_general3A_39 : vector<128x1xf32> to vector<128x128xf32>
        %add3A_149 = vector.broadcast %get3A_123 : vector<1x128xf32> to vector<128x128xf32>
        %add3A_150 = arith.addf %add3A_148, %add3A_149 : vector<128x128xf32>
        %sub3A_151 = arith.subf %add3A_150, %mul3A_147 : vector<128x128xf32>
        %gt3A_152 = arith.constant 0.000000e+00 : f32
        %gt3A_153 = vector.broadcast %gt3A_152 : f32 to vector<128x128xf32>
        %gt3A_154 = arith.cmpf ogt, %sub3A_151, %gt3A_153 : vector<128x128xf32>
        %div3A_155 = arith.divf %mul3A_147, %sub3A_151 : vector<128x128xf32>
        %jit3A_156 = arith.constant 0.000000e+00 : f32
        %broadcast_in_dim3A_157 = vector.broadcast %jit3A_156 : f32 to vector<128x128xf32>
        %select_n3A_158 = arith.select %gt3A_154, %div3A_155, %broadcast_in_dim3A_157 : vector<128x128xi1>, vector<128x128xf32>
        %gt3A_159 = arith.constant 0.699999988 : f32
        %gt3A_160 = vector.broadcast %gt3A_159 : f32 to vector<128x128xf32>
        %gt3A_161 = arith.cmpf ogt, %select_n3A_158, %gt3A_160 : vector<128x128xf32>
        %jit3A_162 = arith.constant 0.000000e+00 : f32
        %broadcast_in_dim3A_163 = vector.shape_cast %get3A_126 : vector<1x128xf32> to vector<1x128xf32>
        %broadcast_in_dim3A_164 = vector.broadcast %broadcast_in_dim3A_163 : vector<1x128xf32> to vector<128x128xf32>
        %broadcast_in_dim3A_165 = vector.broadcast %jit3A_162 : f32 to vector<128x128xf32>
        %select_n3A_166 = arith.select %gt3A_161, %broadcast_in_dim3A_164, %broadcast_in_dim3A_165 : vector<128x128xi1>, vector<128x128xf32>
        %reduce_max3A = arith.constant dense<0xFF800000> : vector<128xf32>
        %reduce_max3A_167 = vector.multi_reduction <maximumf>, %select_n3A_166, %reduce_max3A [1] : vector<128x128xf32> to vector<128xf32>
        %broadcast_in_dim3A_168 = vector.shape_cast %reduce_max3A_167 : vector<128xf32> to vector<128x1xf32>
        %max3A_169 = arith.maximumf %while3A_108, %broadcast_in_dim3A_168 : vector<128x1xf32>
        scf.yield %max3A_169 : vector<128x1xf32>
      }
      %while3A_49 = arith.constant 1 : i32
      %while3A_50 = scf.for %while3A_107 = %while3A_46 to %while3A_42 step %while3A_49 iter_args(%while3A_108 = %while3A_48) -> (vector<128x1xf32>)  : i32 {
        %get3A_109 = arith.index_cast %while3A_107 : i32 to index
        %get3A_110 = arith.constant 0 : index
        %get3A_111 = vector.load %arg8[%get3A_109, %get3A_110] : memref<16x128xf32, #tpu.memory_space<vmem>>, vector<1x128xf32>
        %get3A_112 = arith.index_cast %while3A_107 : i32 to index
        %get3A_113 = arith.constant 0 : index
        %get3A_114 = vector.load %arg9[%get3A_112, %get3A_113] : memref<16x128xf32, #tpu.memory_space<vmem>>, vector<1x128xf32>
        %get3A_115 = arith.index_cast %while3A_107 : i32 to index
        %get3A_116 = arith.constant 0 : index
        %get3A_117 = vector.load %arg10[%get3A_115, %get3A_116] : memref<16x128xf32, #tpu.memory_space<vmem>>, vector<1x128xf32>
        %get3A_118 = arith.index_cast %while3A_107 : i32 to index
        %get3A_119 = arith.constant 0 : index
        %get3A_120 = vector.load %arg11[%get3A_118, %get3A_119] : memref<16x128xf32, #tpu.memory_space<vmem>>, vector<1x128xf32>
        %get3A_121 = arith.index_cast %while3A_107 : i32 to index
        %get3A_122 = arith.constant 0 : index
        %get3A_123 = vector.load %arg12[%get3A_121, %get3A_122] : memref<16x128xf32, #tpu.memory_space<vmem>>, vector<1x128xf32>
        %get3A_124 = arith.index_cast %while3A_107 : i32 to index
        %get3A_125 = arith.constant 0 : index
        %get3A_126 = vector.load %arg7[%get3A_124, %get3A_125] : memref<16x128xf32, #tpu.memory_space<vmem>>, vector<1x128xf32>
        %max3A_127 = vector.broadcast %dot_general3A_31 : vector<128x1xf32> to vector<128x128xf32>
        %max3A_128 = vector.broadcast %get3A_111 : vector<1x128xf32> to vector<128x128xf32>
        %max3A_129 = arith.maximumf %max3A_127, %max3A_128 : vector<128x128xf32>
        %max3A_130 = vector.broadcast %dot_general3A_33 : vector<128x1xf32> to vector<128x128xf32>
        %max3A_131 = vector.broadcast %get3A_114 : vector<1x128xf32> to vector<128x128xf32>
        %max3A_132 = arith.maximumf %max3A_130, %max3A_131 : vector<128x128xf32>
        %min3A_133 = vector.broadcast %dot_general3A_35 : vector<128x1xf32> to vector<128x128xf32>
        %min3A_134 = vector.broadcast %get3A_117 : vector<1x128xf32> to vector<128x128xf32>
        %min3A_135 = arith.minimumf %min3A_133, %min3A_134 : vector<128x128xf32>
        %min3A_136 = vector.broadcast %dot_general3A_37 : vector<128x1xf32> to vector<128x128xf32>
        %min3A_137 = vector.broadcast %get3A_120 : vector<1x128xf32> to vector<128x128xf32>
        %min3A_138 = arith.minimumf %min3A_136, %min3A_137 : vector<128x128xf32>
        %sub3A_139 = arith.subf %min3A_135, %max3A_129 : vector<128x128xf32>
        %max3A_140 = arith.constant 0.000000e+00 : f32
        %max3A_141 = vector.broadcast %max3A_140 : f32 to vector<128x128xf32>
        %max3A_142 = arith.maximumf %sub3A_139, %max3A_141 : vector<128x128xf32>
        %sub3A_143 = arith.subf %min3A_138, %max3A_132 : vector<128x128xf32>
        %max3A_144 = arith.constant 0.000000e+00 : f32
        %max3A_145 = vector.broadcast %max3A_144 : f32 to vector<128x128xf32>
        %max3A_146 = arith.maximumf %sub3A_143, %max3A_145 : vector<128x128xf32>
        %mul3A_147 = arith.mulf %max3A_142, %max3A_146 : vector<128x128xf32>
        %add3A_148 = vector.broadcast %dot_general3A_39 : vector<128x1xf32> to vector<128x128xf32>
        %add3A_149 = vector.broadcast %get3A_123 : vector<1x128xf32> to vector<128x128xf32>
        %add3A_150 = arith.addf %add3A_148, %add3A_149 : vector<128x128xf32>
        %sub3A_151 = arith.subf %add3A_150, %mul3A_147 : vector<128x128xf32>
        %gt3A_152 = arith.constant 0.000000e+00 : f32
        %gt3A_153 = vector.broadcast %gt3A_152 : f32 to vector<128x128xf32>
        %gt3A_154 = arith.cmpf ogt, %sub3A_151, %gt3A_153 : vector<128x128xf32>
        %div3A_155 = arith.divf %mul3A_147, %sub3A_151 : vector<128x128xf32>
        %jit3A_156 = arith.constant 0.000000e+00 : f32
        %broadcast_in_dim3A_157 = vector.broadcast %jit3A_156 : f32 to vector<128x128xf32>
        %select_n3A_158 = arith.select %gt3A_154, %div3A_155, %broadcast_in_dim3A_157 : vector<128x128xi1>, vector<128x128xf32>
        %gt3A_159 = arith.constant 0.699999988 : f32
        %gt3A_160 = vector.broadcast %gt3A_159 : f32 to vector<128x128xf32>
        %gt3A_161 = arith.cmpf ogt, %select_n3A_158, %gt3A_160 : vector<128x128xf32>
        %jit3A_162 = arith.constant 0.000000e+00 : f32
        %broadcast_in_dim3A_163 = vector.shape_cast %get3A_126 : vector<1x128xf32> to vector<1x128xf32>
        %broadcast_in_dim3A_164 = vector.broadcast %broadcast_in_dim3A_163 : vector<1x128xf32> to vector<128x128xf32>
        %broadcast_in_dim3A_165 = vector.broadcast %jit3A_162 : f32 to vector<128x128xf32>
        %select_n3A_166 = arith.select %gt3A_161, %broadcast_in_dim3A_164, %broadcast_in_dim3A_165 : vector<128x128xi1>, vector<128x128xf32>
        %reduce_max3A = arith.constant dense<0xFF800000> : vector<128xf32>
        %reduce_max3A_167 = vector.multi_reduction <maximumf>, %select_n3A_166, %reduce_max3A [1] : vector<128x128xf32> to vector<128xf32>
        %broadcast_in_dim3A_168 = vector.shape_cast %reduce_max3A_167 : vector<128xf32> to vector<128x1xf32>
        %max3A_169 = arith.maximumf %while3A_108, %broadcast_in_dim3A_168 : vector<128x1xf32>
        scf.yield %max3A_169 : vector<128x1xf32>
      }
      %max3A = vector.broadcast %dot_general3A_31 : vector<128x1xf32> to vector<128x128xf32>
      %max3A_51 = vector.broadcast %get3A_18 : vector<1x128xf32> to vector<128x128xf32>
      %max3A_52 = arith.maximumf %max3A, %max3A_51 : vector<128x128xf32>
      %max3A_53 = vector.broadcast %dot_general3A_33 : vector<128x1xf32> to vector<128x128xf32>
      %max3A_54 = vector.broadcast %get3A_21 : vector<1x128xf32> to vector<128x128xf32>
      %max3A_55 = arith.maximumf %max3A_53, %max3A_54 : vector<128x128xf32>
      %min3A = vector.broadcast %dot_general3A_35 : vector<128x1xf32> to vector<128x128xf32>
      %min3A_56 = vector.broadcast %get3A_24 : vector<1x128xf32> to vector<128x128xf32>
      %min3A_57 = arith.minimumf %min3A, %min3A_56 : vector<128x128xf32>
      %min3A_58 = vector.broadcast %dot_general3A_37 : vector<128x1xf32> to vector<128x128xf32>
      %min3A_59 = vector.broadcast %get3A_27 : vector<1x128xf32> to vector<128x128xf32>
      %min3A_60 = arith.minimumf %min3A_58, %min3A_59 : vector<128x128xf32>
      %sub3A = arith.subf %min3A_57, %max3A_52 : vector<128x128xf32>
      %max3A_61 = arith.constant 0.000000e+00 : f32
      %max3A_62 = vector.broadcast %max3A_61 : f32 to vector<128x128xf32>
      %max3A_63 = arith.maximumf %sub3A, %max3A_62 : vector<128x128xf32>
      %sub3A_64 = arith.subf %min3A_60, %max3A_55 : vector<128x128xf32>
      %max3A_65 = arith.constant 0.000000e+00 : f32
      %max3A_66 = vector.broadcast %max3A_65 : f32 to vector<128x128xf32>
      %max3A_67 = arith.maximumf %sub3A_64, %max3A_66 : vector<128x128xf32>
      %mul3A = arith.mulf %max3A_63, %max3A_67 : vector<128x128xf32>
      %add3A = vector.broadcast %dot_general3A_39 : vector<128x1xf32> to vector<128x128xf32>
      %add3A_68 = vector.broadcast %get3A_30 : vector<1x128xf32> to vector<128x128xf32>
      %add3A_69 = arith.addf %add3A, %add3A_68 : vector<128x128xf32>
      %sub3A_70 = arith.subf %add3A_69, %mul3A : vector<128x128xf32>
      %gt3A = arith.constant 0.000000e+00 : f32
      %gt3A_71 = vector.broadcast %gt3A : f32 to vector<128x128xf32>
      %gt3A_72 = arith.cmpf ogt, %sub3A_70, %gt3A_71 : vector<128x128xf32>
      %div3A = arith.divf %mul3A, %sub3A_70 : vector<128x128xf32>
      %jit3A = arith.constant 0.000000e+00 : f32
      %broadcast_in_dim3A_73 = vector.broadcast %jit3A : f32 to vector<128x128xf32>
      %select_n3A = arith.select %gt3A_72, %div3A, %broadcast_in_dim3A_73 : vector<128x128xi1>, vector<128x128xf32>
      %lt3A_74 = arith.cmpi slt, %iota3A_12, %iota3A : vector<128x128xi32>
      %gt3A_75 = arith.constant 0.699999988 : f32
      %gt3A_76 = vector.broadcast %gt3A_75 : f32 to vector<128x128xf32>
      %gt3A_77 = arith.cmpf ogt, %select_n3A, %gt3A_76 : vector<128x128xf32>
      %and3A = arith.andi %gt3A_77, %lt3A_74 : vector<128x128xi1>
      %jit3A_78 = arith.constant 1.000000e+00 : f32
      %jit3A_79 = arith.constant 0.000000e+00 : f32
      %broadcast_in_dim3A_80 = vector.broadcast %jit3A_78 : f32 to vector<128x128xf32>
      %broadcast_in_dim3A_81 = vector.broadcast %jit3A_79 : f32 to vector<128x128xf32>
      %select_n3A_82 = arith.select %and3A, %broadcast_in_dim3A_80, %broadcast_in_dim3A_81 : vector<128x128xi1>, vector<128x128xf32>
      %broadcast_in_dim3A_83 = arith.constant 1.000000e+00 : f32
      %broadcast_in_dim3A_84 = vector.broadcast %broadcast_in_dim3A_83 : f32 to vector<1x128xf32>
      %while3A_85 = arith.constant true
      %while3A_86:2 = scf.while (%while3A_107 = %broadcast_in_dim3A_84, %while3A_108 = %while3A_85) : (vector<1x128xf32>, i1) -> (vector<1x128xf32>, i1) {
        scf.condition(%while3A_108) %while3A_107, %while3A_108 : vector<1x128xf32>, i1
      } do {
      ^bb0(%while3A_107: vector<1x128xf32>, %while3A_108: i1):
        %mul3A_109 = vector.broadcast %while3A_107 : vector<1x128xf32> to vector<128x128xf32>
        %mul3A_110 = arith.mulf %select_n3A_82, %mul3A_109 : vector<128x128xf32>
        %reduce_max3A = arith.constant dense<0xFF800000> : vector<128xf32>
        %reduce_max3A_111 = vector.multi_reduction <maximumf>, %mul3A_110, %reduce_max3A [1] : vector<128x128xf32> to vector<128xf32>
        %broadcast_in_dim3A_112 = vector.shape_cast %reduce_max3A_111 : vector<128xf32> to vector<128x1xf32>
        %max3A_113 = arith.maximumf %broadcast_in_dim3A_112, %while3A_50 : vector<128x1xf32>
        %min3A_114 = arith.constant 1.000000e+00 : f32
        %min3A_115 = vector.broadcast %min3A_114 : f32 to vector<128x1xf32>
        %min3A_116 = arith.minimumf %max3A_113, %min3A_115 : vector<128x1xf32>
        %sub3A_117 = arith.constant 1.000000e+00 : f32
        %sub3A_118 = vector.broadcast %sub3A_117 : f32 to vector<128x1xf32>
        %sub3A_119 = arith.subf %sub3A_118, %min3A_116 : vector<128x1xf32>
        %dot_general3A_120 = arith.constant dense<0.000000e+00> : vector<1x128xf32>
        %dot_general3A_121 = tpu.matmul %sub3A_119, %convert_element_type3A_15, %dot_general3A_120 {dimension_numbers = #tpu.dot_dimension_numbers<[0], [0], [1], [1], [0, 1, 1, 1], [], []>, precision = #tpu.contract_precision<fp32>, transpose_lhs_hint = false} : vector<128x1xf32>, vector<128x128xf32>, vector<1x128xf32> -> vector<1x128xf32>
        %ne3A = arith.cmpf one, %dot_general3A_121, %while3A_107 : vector<1x128xf32>
        %reduce_or3A = arith.constant 1.000000e+00 : f32
        %reduce_or3A_122 = arith.constant 0.000000e+00 : f32
        %reduce_or3A_123 = vector.broadcast %reduce_or3A : f32 to vector<1x128xf32>
        %reduce_or3A_124 = vector.broadcast %reduce_or3A_122 : f32 to vector<1x128xf32>
        %reduce_or3A_125 = arith.select %ne3A, %reduce_or3A_123, %reduce_or3A_124 : vector<1x128xi1>, vector<1x128xf32>
        %reduce_or3A_126 = vector.shape_cast %reduce_or3A_125 : vector<1x128xf32> to vector<1x1x128xf32>
        %reduce_or3A_127 = arith.constant dense<0xFF800000> : vector<1xf32>
        %reduce_or3A_128 = vector.multi_reduction <maximumf>, %reduce_or3A_126, %reduce_or3A_127 [1, 2] : vector<1x1x128xf32> to vector<1xf32>
        %reduce_or3A_129 = vector.shape_cast %reduce_or3A_128 : vector<1xf32> to vector<1x1x1xf32>
        %reduce_or3A_130 = vector.extract %reduce_or3A_129[0, 0, 0] : f32 from vector<1x1x1xf32>
        %reduce_or3A_131 = arith.constant 0.000000e+00 : f32
        %reduce_or3A_132 = arith.cmpf ogt, %reduce_or3A_130, %reduce_or3A_131 : f32
        scf.yield %dot_general3A_121, %reduce_or3A_132 : vector<1x128xf32>, i1
      }
      %swap3A = arith.index_cast %arg0 : i32 to index
      %swap3A_87 = arith.constant 0 : index
      %swap3A_88 = vector.load %arg7[%swap3A, %swap3A_87] : memref<16x128xf32, #tpu.memory_space<vmem>>, vector<1x128xf32>
      tpu.vector_store %arg7[%swap3A, %swap3A_87], %while3A_86#0 {strides = array<i32>} : memref<16x128xf32, #tpu.memory_space<vmem>>, vector<1x128xf32>,
      %get3A_89 = arith.index_cast %arg0 : i32 to index
      %get3A_90 = arith.constant 0 : index
      %get3A_91 = vector.load %arg5[%get3A_89, %get3A_90] : memref<16x128xf32, #tpu.memory_space<vmem>>, vector<1x128xf32>
      %ge3A = arith.constant 1.000000e-01 : f32
      %ge3A_92 = vector.broadcast %ge3A : f32 to vector<1x128xf32>
      %ge3A_93 = arith.cmpf oge, %get3A_91, %ge3A_92 : vector<1x128xf32>
      %jit3A_94 = arith.constant 0.000000e+00 : f32
      %broadcast_in_dim3A_95 = vector.broadcast %jit3A_94 : f32 to vector<1x128xf32>
      %select_n3A_96 = arith.select %ge3A_93, %while3A_86#0, %broadcast_in_dim3A_95 : vector<1x128xi1>, vector<1x128xf32>
      %get3A_97 = arith.constant 0 : index
      %get3A_98 = memref.load %arg13[%get3A_97] : memref<1xi32, #tpu.memory_space<smem>>
      %reduce_sum3A = vector.shape_cast %select_n3A_96 : vector<1x128xf32> to vector<1x1x128xf32>
      %reduce_sum3A_99 = arith.constant dense<0.000000e+00> : vector<1xf32>
      %reduce_sum3A_100 = vector.multi_reduction <add>, %reduce_sum3A, %reduce_sum3A_99 [1, 2] : vector<1x1x128xf32> to vector<1xf32>
      %reduce_sum3A_101 = vector.shape_cast %reduce_sum3A_100 : vector<1xf32> to vector<1x1x1xf32>
      %reduce_sum3A_102 = vector.extract %reduce_sum3A_101[0, 0, 0] : f32 from vector<1x1x1xf32>
      %convert_element_type3A_103 = arith.fptosi %reduce_sum3A_102 : f32 to i32
      %add3A_104 = arith.addi %get3A_98, %convert_element_type3A_103 : i32
      %swap3A_105 = arith.constant 0 : index
      %swap3A_106 = memref.load %arg13[%swap3A_105] : memref<1xi32, #tpu.memory_space<smem>>
      memref.store %add3A_104, %arg13[%swap3A_105] : memref<1xi32, #tpu.memory_space<smem>>
    } else {
    }
    %eq3A_7 = arith.constant 15 : i32
    %eq3A_8 = arith.cmpi eq, %arg0, %eq3A_7 : i32
    %convert_element_type3A_9 = arith.extui %eq3A_8 : i1 to i32
    %cond3A_10 = arith.constant 0 : i32
    %cond3A_11 = arith.cmpi ne, %convert_element_type3A_9, %cond3A_10 : i32
    scf.if %cond3A_11 {
      %iota3A = tpu.iota {dimensions = array<i32: 0>} : vector<128x128xi32>
      %iota3A_12 = tpu.iota {dimensions = array<i32: 1>} : vector<128x128xi32>
      %eq3A_13 = arith.cmpi eq, %iota3A, %iota3A_12 : vector<128x128xi32>
      %convert_element_type3A_14 = arith.extui %eq3A_13 : vector<128x128xi1> to vector<128x128xi32>
      %convert_element_type3A_15 = arith.sitofp %convert_element_type3A_14 : vector<128x128xi32> to vector<128x128xf32>
      %lt3A_16 = arith.cmpi slt, %iota3A, %iota3A_12 : vector<128x128xi32>
      %convert_element_type3A_17 = arith.extui %lt3A_16 : vector<128x128xi1> to vector<128x128xi32>
      %convert_element_type3A_18 = arith.sitofp %convert_element_type3A_17 : vector<128x128xi32> to vector<128x128xf32>
      %get3A_19 = arith.constant 0 : index
      %get3A_20 = arith.constant 0 : index
      %get3A_21 = vector.load %arg5[%get3A_19, %get3A_20] : memref<16x128xf32, #tpu.memory_space<vmem>>, vector<16x128xf32>
      %ge3A = arith.constant 1.000000e-01 : f32
      %ge3A_22 = vector.broadcast %ge3A : f32 to vector<16x128xf32>
      %ge3A_23 = arith.cmpf oge, %get3A_21, %ge3A_22 : vector<16x128xf32>
      %get3A_24 = arith.constant 0 : index
      %get3A_25 = arith.constant 0 : index
      %get3A_26 = vector.load %arg7[%get3A_24, %get3A_25] : memref<16x128xf32, #tpu.memory_space<vmem>>, vector<16x128xf32>
      %gt3A = arith.constant 5.000000e-01 : f32
      %gt3A_27 = vector.broadcast %gt3A : f32 to vector<16x128xf32>
      %gt3A_28 = arith.cmpf ogt, %get3A_26, %gt3A_27 : vector<16x128xf32>
      %and3A = arith.andi %ge3A_23, %gt3A_28 : vector<16x128xi1>
      %jit3A = arith.constant 1.000000e+00 : f32
      %jit3A_29 = arith.constant 0.000000e+00 : f32
      %broadcast_in_dim3A = vector.broadcast %jit3A : f32 to vector<16x128xf32>
      %broadcast_in_dim3A_30 = vector.broadcast %jit3A_29 : f32 to vector<16x128xf32>
      %select_n3A = arith.select %and3A, %broadcast_in_dim3A, %broadcast_in_dim3A_30 : vector<16x128xi1>, vector<16x128xf32>
      %dot_general3A = arith.constant dense<0.000000e+00> : vector<16x128xf32>
      %dot_general3A_31 = tpu.matmul %select_n3A, %convert_element_type3A_18, %dot_general3A {dimension_numbers = #tpu.dot_dimension_numbers<[1], [0], [0], [1], [0, 0, 1, 1], [], []>, precision = #tpu.contract_precision<fp32>, transpose_lhs_hint = false} : vector<16x128xf32>, vector<128x128xf32>, vector<16x128xf32> -> vector<16x128xf32>
      %slice3A = vector.extract_strided_slice %dot_general3A_31 {offsets = [0, 127], sizes = [16, 1], strides = [1, 1]} : vector<16x128xf32> to vector<16x1xf32>
      %slice3A_32 = vector.extract_strided_slice %select_n3A {offsets = [0, 127], sizes = [16, 1], strides = [1, 1]} : vector<16x128xf32> to vector<16x1xf32>
      %add3A = arith.addf %slice3A, %slice3A_32 : vector<16x1xf32>
      %iota3A_33 = tpu.iota {dimensions = array<i32: 0>} : vector<16x16xi32>
      %iota3A_34 = tpu.iota {dimensions = array<i32: 1>} : vector<16x16xi32>
      %lt3A_35 = arith.cmpi slt, %iota3A_34, %iota3A_33 : vector<16x16xi32>
      %convert_element_type3A_36 = arith.extui %lt3A_35 : vector<16x16xi1> to vector<16x16xi32>
      %convert_element_type3A_37 = arith.sitofp %convert_element_type3A_36 : vector<16x16xi32> to vector<16x16xf32>
      %dot_general3A_38 = arith.constant dense<0.000000e+00> : vector<16x1xf32>
      %dot_general3A_39 = tpu.matmul %convert_element_type3A_37, %add3A, %dot_general3A_38 {dimension_numbers = #tpu.dot_dimension_numbers<[1], [0], [0], [1], [0, 0, 1, 1], [], []>, precision = #tpu.contract_precision<fp32>, transpose_lhs_hint = false} : vector<16x16xf32>, vector<16x1xf32>, vector<16x1xf32> -> vector<16x1xf32>
      %add3A_40 = vector.broadcast %dot_general3A_39 : vector<16x1xf32> to vector<16x128xf32>
      %add3A_41 = arith.addf %add3A_40, %dot_general3A_31 : vector<16x128xf32>
      %gt3A_42 = arith.constant 5.000000e-01 : f32
      %gt3A_43 = vector.broadcast %gt3A_42 : f32 to vector<16x128xf32>
      %gt3A_44 = arith.cmpf ogt, %select_n3A, %gt3A_43 : vector<16x128xf32>
      %lt3A_45 = arith.constant 3.000000e+02 : f32
      %lt3A_46 = vector.broadcast %lt3A_45 : f32 to vector<16x128xf32>
      %lt3A_47 = arith.cmpf olt, %add3A_41, %lt3A_46 : vector<16x128xf32>
      %and3A_48 = arith.andi %gt3A_44, %lt3A_47 : vector<16x128xi1>
      %jit3A_49 = arith.constant 1.000000e+09 : f32
      %broadcast_in_dim3A_50 = vector.broadcast %jit3A_49 : f32 to vector<16x128xf32>
      %select_n3A_51 = arith.select %and3A_48, %add3A_41, %broadcast_in_dim3A_50 : vector<16x128xi1>, vector<16x128xf32>
      %dot_general3A_52 = arith.constant dense<0.000000e+00> : vector<128x16xf32>
      %dot_general3A_53 = tpu.matmul %convert_element_type3A_15, %select_n3A_51, %dot_general3A_52 {dimension_numbers = #tpu.dot_dimension_numbers<[1], [1], [0], [0], [0, 0, 1, 0], [], []>, precision = #tpu.contract_precision<fp32>, transpose_lhs_hint = false} : vector<128x128xf32>, vector<16x128xf32>, vector<128x16xf32> -> vector<128x16xf32>
      %get3A_54 = arith.constant 0 : index
      %get3A_55 = arith.constant 0 : index
      %get3A_56 = vector.load %arg1[%get3A_54, %get3A_55] : memref<16x128xf32, #tpu.memory_space<vmem>>, vector<16x128xf32>
      %mul3A = arith.constant 1.500000e+00 : f32
      %mul3A_57 = vector.broadcast %mul3A : f32 to vector<16x128xf32>
      %mul3A_58 = arith.mulf %get3A_56, %mul3A_57 : vector<16x128xf32>
      %add3A_59 = arith.constant 1.000000e+00 : f32
      %add3A_60 = vector.broadcast %add3A_59 : f32 to vector<16x128xf32>
      %add3A_61 = arith.addf %mul3A_58, %add3A_60 : vector<16x128xf32>
      %dot_general3A_62 = arith.constant dense<0.000000e+00> : vector<128x16xf32>
      %dot_general3A_63 = tpu.matmul %convert_element_type3A_15, %add3A_61, %dot_general3A_62 {dimension_numbers = #tpu.dot_dimension_numbers<[1], [1], [0], [0], [0, 0, 1, 0], [], []>, precision = #tpu.contract_precision<fp32>, transpose_lhs_hint = false} : vector<128x128xf32>, vector<16x128xf32>, vector<128x16xf32> -> vector<128x16xf32>
      %get3A_64 = arith.constant 0 : index
      %get3A_65 = arith.constant 0 : index
      %get3A_66 = vector.load %arg2[%get3A_64, %get3A_65] : memref<16x128xf32, #tpu.memory_space<vmem>>, vector<16x128xf32>
      %mul3A_67 = arith.constant 1.0546875 : f32
      %mul3A_68 = vector.broadcast %mul3A_67 : f32 to vector<16x128xf32>
      %mul3A_69 = arith.mulf %get3A_66, %mul3A_68 : vector<16x128xf32>
      %add3A_70 = arith.constant 1.000000e+00 : f32
      %add3A_71 = vector.broadcast %add3A_70 : f32 to vector<16x128xf32>
      %add3A_72 = arith.addf %mul3A_69, %add3A_71 : vector<16x128xf32>
      %dot_general3A_73 = arith.constant dense<0.000000e+00> : vector<128x16xf32>
      %dot_general3A_74 = tpu.matmul %convert_element_type3A_15, %add3A_72, %dot_general3A_73 {dimension_numbers = #tpu.dot_dimension_numbers<[1], [1], [0], [0], [0, 0, 1, 0], [], []>, precision = #tpu.contract_precision<fp32>, transpose_lhs_hint = false} : vector<128x128xf32>, vector<16x128xf32>, vector<128x16xf32> -> vector<128x16xf32>
      %get3A_75 = arith.constant 0 : index
      %get3A_76 = arith.constant 0 : index
      %get3A_77 = vector.load %arg3[%get3A_75, %get3A_76] : memref<16x128xf32, #tpu.memory_space<vmem>>, vector<16x128xf32>
      %mul3A_78 = arith.constant 1.500000e+00 : f32
      %mul3A_79 = vector.broadcast %mul3A_78 : f32 to vector<16x128xf32>
      %mul3A_80 = arith.mulf %get3A_77, %mul3A_79 : vector<16x128xf32>
      %dot_general3A_81 = arith.constant dense<0.000000e+00> : vector<128x16xf32>
      %dot_general3A_82 = tpu.matmul %convert_element_type3A_15, %mul3A_80, %dot_general3A_81 {dimension_numbers = #tpu.dot_dimension_numbers<[1], [1], [0], [0], [0, 0, 1, 0], [], []>, precision = #tpu.contract_precision<fp32>, transpose_lhs_hint = false} : vector<128x128xf32>, vector<16x128xf32>, vector<128x16xf32> -> vector<128x16xf32>
      %get3A_83 = arith.constant 0 : index
      %get3A_84 = arith.constant 0 : index
      %get3A_85 = vector.load %arg4[%get3A_83, %get3A_84] : memref<16x128xf32, #tpu.memory_space<vmem>>, vector<16x128xf32>
      %mul3A_86 = arith.constant 1.0546875 : f32
      %mul3A_87 = vector.broadcast %mul3A_86 : f32 to vector<16x128xf32>
      %mul3A_88 = arith.mulf %get3A_85, %mul3A_87 : vector<16x128xf32>
      %dot_general3A_89 = arith.constant dense<0.000000e+00> : vector<128x16xf32>
      %dot_general3A_90 = tpu.matmul %convert_element_type3A_15, %mul3A_88, %dot_general3A_89 {dimension_numbers = #tpu.dot_dimension_numbers<[1], [1], [0], [0], [0, 0, 1, 0], [], []>, precision = #tpu.contract_precision<fp32>, transpose_lhs_hint = false} : vector<128x128xf32>, vector<16x128xf32>, vector<128x16xf32> -> vector<128x16xf32>
      %get3A_91 = arith.constant 0 : index
      %get3A_92 = arith.constant 0 : index
      %get3A_93 = vector.load %arg5[%get3A_91, %get3A_92] : memref<16x128xf32, #tpu.memory_space<vmem>>, vector<16x128xf32>
      %dot_general3A_94 = arith.constant dense<0.000000e+00> : vector<128x16xf32>
      %dot_general3A_95 = tpu.matmul %convert_element_type3A_15, %get3A_93, %dot_general3A_94 {dimension_numbers = #tpu.dot_dimension_numbers<[1], [1], [0], [0], [0, 0, 1, 0], [], []>, precision = #tpu.contract_precision<fp32>, transpose_lhs_hint = false} : vector<128x128xf32>, vector<16x128xf32>, vector<128x16xf32> -> vector<128x16xf32>
      %iota3A_96 = tpu.iota {dimensions = array<i32: 1>} : vector<1x304xi32>
      %convert_element_type3A_97 = arith.sitofp %iota3A_96 : vector<1x304xi32> to vector<1x304xf32>
      %broadcast_in_dim3A_98 = arith.constant 0.000000e+00 : f32
      %broadcast_in_dim3A_99 = vector.broadcast %broadcast_in_dim3A_98 : f32 to vector<128x3xf32>
      %broadcast_in_dim3A_100 = arith.constant 0.000000e+00 : f32
      %broadcast_in_dim3A_101 = vector.broadcast %broadcast_in_dim3A_100 : f32 to vector<304x8xf32>
      %slice3A_102 = vector.extract_strided_slice %dot_general3A_53 {offsets = [0, 0], sizes = [128, 1], strides = [1, 1]} : vector<128x16xf32> to vector<128x1xf32>
      %eq3A_103 = vector.broadcast %slice3A_102 : vector<128x1xf32> to vector<128x304xf32>
      %eq3A_104 = vector.broadcast %convert_element_type3A_97 : vector<1x304xf32> to vector<128x304xf32>
      %eq3A_105 = arith.cmpf oeq, %eq3A_103, %eq3A_104 : vector<128x304xf32>
      %convert_element_type3A_106 = arith.extui %eq3A_105 : vector<128x304xi1> to vector<128x304xi32>
      %convert_element_type3A_107 = arith.sitofp %convert_element_type3A_106 : vector<128x304xi32> to vector<128x304xf32>
      %slice3A_108 = vector.extract_strided_slice %dot_general3A_63 {offsets = [0, 0], sizes = [128, 1], strides = [1, 1]} : vector<128x16xf32> to vector<128x1xf32>
      %slice3A_109 = vector.extract_strided_slice %dot_general3A_74 {offsets = [0, 0], sizes = [128, 1], strides = [1, 1]} : vector<128x16xf32> to vector<128x1xf32>
      %slice3A_110 = vector.extract_strided_slice %dot_general3A_82 {offsets = [0, 0], sizes = [128, 1], strides = [1, 1]} : vector<128x16xf32> to vector<128x1xf32>
      %slice3A_111 = vector.extract_strided_slice %dot_general3A_90 {offsets = [0, 0], sizes = [128, 1], strides = [1, 1]} : vector<128x16xf32> to vector<128x1xf32>
      %slice3A_112 = vector.extract_strided_slice %dot_general3A_95 {offsets = [0, 0], sizes = [128, 1], strides = [1, 1]} : vector<128x16xf32> to vector<128x1xf32>
      %concatenate3A = tpu.concatenate %slice3A_108, %slice3A_109, %slice3A_110, %slice3A_111, %slice3A_112, %broadcast_in_dim3A_99 in 1 : vector<128x1xf32>, vector<128x1xf32>, vector<128x1xf32>, vector<128x1xf32>, vector<128x1xf32>, vector<128x3xf32> -> vector<128x8xf32>
      %dot_general3A_113 = arith.constant dense<0.000000e+00> : vector<304x8xf32>
      %dot_general3A_114 = tpu.matmul %convert_element_type3A_107, %concatenate3A, %dot_general3A_113 {dimension_numbers = #tpu.dot_dimension_numbers<[0], [0], [1], [1], [0, 1, 1, 1], [], []>, precision = #tpu.contract_precision<fp32>, transpose_lhs_hint = false} : vector<128x304xf32>, vector<128x8xf32>, vector<304x8xf32> -> vector<304x8xf32>
      %add3A_115 = arith.addf %broadcast_in_dim3A_101, %dot_general3A_114 : vector<304x8xf32>
      %slice3A_116 = vector.extract_strided_slice %dot_general3A_53 {offsets = [0, 1], sizes = [128, 1], strides = [1, 1]} : vector<128x16xf32> to vector<128x1xf32>
      %eq3A_117 = vector.broadcast %slice3A_116 : vector<128x1xf32> to vector<128x304xf32>
      %eq3A_118 = vector.broadcast %convert_element_type3A_97 : vector<1x304xf32> to vector<128x304xf32>
      %eq3A_119 = arith.cmpf oeq, %eq3A_117, %eq3A_118 : vector<128x304xf32>
      %convert_element_type3A_120 = arith.extui %eq3A_119 : vector<128x304xi1> to vector<128x304xi32>
      %convert_element_type3A_121 = arith.sitofp %convert_element_type3A_120 : vector<128x304xi32> to vector<128x304xf32>
      %slice3A_122 = vector.extract_strided_slice %dot_general3A_63 {offsets = [0, 1], sizes = [128, 1], strides = [1, 1]} : vector<128x16xf32> to vector<128x1xf32>
      %slice3A_123 = vector.extract_strided_slice %dot_general3A_74 {offsets = [0, 1], sizes = [128, 1], strides = [1, 1]} : vector<128x16xf32> to vector<128x1xf32>
      %slice3A_124 = vector.extract_strided_slice %dot_general3A_82 {offsets = [0, 1], sizes = [128, 1], strides = [1, 1]} : vector<128x16xf32> to vector<128x1xf32>
      %slice3A_125 = vector.extract_strided_slice %dot_general3A_90 {offsets = [0, 1], sizes = [128, 1], strides = [1, 1]} : vector<128x16xf32> to vector<128x1xf32>
      %slice3A_126 = vector.extract_strided_slice %dot_general3A_95 {offsets = [0, 1], sizes = [128, 1], strides = [1, 1]} : vector<128x16xf32> to vector<128x1xf32>
      %concatenate3A_127 = tpu.concatenate %slice3A_122, %slice3A_123, %slice3A_124, %slice3A_125, %slice3A_126, %broadcast_in_dim3A_99 in 1 : vector<128x1xf32>, vector<128x1xf32>, vector<128x1xf32>, vector<128x1xf32>, vector<128x1xf32>, vector<128x3xf32> -> vector<128x8xf32>
      %dot_general3A_128 = arith.constant dense<0.000000e+00> : vector<304x8xf32>
      %dot_general3A_129 = tpu.matmul %convert_element_type3A_121, %concatenate3A_127, %dot_general3A_128 {dimension_numbers = #tpu.dot_dimension_numbers<[0], [0], [1], [1], [0, 1, 1, 1], [], []>, precision = #tpu.contract_precision<fp32>, transpose_lhs_hint = false} : vector<128x304xf32>, vector<128x8xf32>, vector<304x8xf32> -> vector<304x8xf32>
      %add3A_130 = arith.addf %add3A_115, %dot_general3A_129 : vector<304x8xf32>
      %slice3A_131 = vector.extract_strided_slice %dot_general3A_53 {offsets = [0, 2], sizes = [128, 1], strides = [1, 1]} : vector<128x16xf32> to vector<128x1xf32>
      %eq3A_132 = vector.broadcast %slice3A_131 : vector<128x1xf32> to vector<128x304xf32>
      %eq3A_133 = vector.broadcast %convert_element_type3A_97 : vector<1x304xf32> to vector<128x304xf32>
      %eq3A_134 = arith.cmpf oeq, %eq3A_132, %eq3A_133 : vector<128x304xf32>
      %convert_element_type3A_135 = arith.extui %eq3A_134 : vector<128x304xi1> to vector<128x304xi32>
      %convert_element_type3A_136 = arith.sitofp %convert_element_type3A_135 : vector<128x304xi32> to vector<128x304xf32>
      %slice3A_137 = vector.extract_strided_slice %dot_general3A_63 {offsets = [0, 2], sizes = [128, 1], strides = [1, 1]} : vector<128x16xf32> to vector<128x1xf32>
      %slice3A_138 = vector.extract_strided_slice %dot_general3A_74 {offsets = [0, 2], sizes = [128, 1], strides = [1, 1]} : vector<128x16xf32> to vector<128x1xf32>
      %slice3A_139 = vector.extract_strided_slice %dot_general3A_82 {offsets = [0, 2], sizes = [128, 1], strides = [1, 1]} : vector<128x16xf32> to vector<128x1xf32>
      %slice3A_140 = vector.extract_strided_slice %dot_general3A_90 {offsets = [0, 2], sizes = [128, 1], strides = [1, 1]} : vector<128x16xf32> to vector<128x1xf32>
      %slice3A_141 = vector.extract_strided_slice %dot_general3A_95 {offsets = [0, 2], sizes = [128, 1], strides = [1, 1]} : vector<128x16xf32> to vector<128x1xf32>
      %concatenate3A_142 = tpu.concatenate %slice3A_137, %slice3A_138, %slice3A_139, %slice3A_140, %slice3A_141, %broadcast_in_dim3A_99 in 1 : vector<128x1xf32>, vector<128x1xf32>, vector<128x1xf32>, vector<128x1xf32>, vector<128x1xf32>, vector<128x3xf32> -> vector<128x8xf32>
      %dot_general3A_143 = arith.constant dense<0.000000e+00> : vector<304x8xf32>
      %dot_general3A_144 = tpu.matmul %convert_element_type3A_136, %concatenate3A_142, %dot_general3A_143 {dimension_numbers = #tpu.dot_dimension_numbers<[0], [0], [1], [1], [0, 1, 1, 1], [], []>, precision = #tpu.contract_precision<fp32>, transpose_lhs_hint = false} : vector<128x304xf32>, vector<128x8xf32>, vector<304x8xf32> -> vector<304x8xf32>
      %add3A_145 = arith.addf %add3A_130, %dot_general3A_144 : vector<304x8xf32>
      %slice3A_146 = vector.extract_strided_slice %dot_general3A_53 {offsets = [0, 3], sizes = [128, 1], strides = [1, 1]} : vector<128x16xf32> to vector<128x1xf32>
      %eq3A_147 = vector.broadcast %slice3A_146 : vector<128x1xf32> to vector<128x304xf32>
      %eq3A_148 = vector.broadcast %convert_element_type3A_97 : vector<1x304xf32> to vector<128x304xf32>
      %eq3A_149 = arith.cmpf oeq, %eq3A_147, %eq3A_148 : vector<128x304xf32>
      %convert_element_type3A_150 = arith.extui %eq3A_149 : vector<128x304xi1> to vector<128x304xi32>
      %convert_element_type3A_151 = arith.sitofp %convert_element_type3A_150 : vector<128x304xi32> to vector<128x304xf32>
      %slice3A_152 = vector.extract_strided_slice %dot_general3A_63 {offsets = [0, 3], sizes = [128, 1], strides = [1, 1]} : vector<128x16xf32> to vector<128x1xf32>
      %slice3A_153 = vector.extract_strided_slice %dot_general3A_74 {offsets = [0, 3], sizes = [128, 1], strides = [1, 1]} : vector<128x16xf32> to vector<128x1xf32>
      %slice3A_154 = vector.extract_strided_slice %dot_general3A_82 {offsets = [0, 3], sizes = [128, 1], strides = [1, 1]} : vector<128x16xf32> to vector<128x1xf32>
      %slice3A_155 = vector.extract_strided_slice %dot_general3A_90 {offsets = [0, 3], sizes = [128, 1], strides = [1, 1]} : vector<128x16xf32> to vector<128x1xf32>
      %slice3A_156 = vector.extract_strided_slice %dot_general3A_95 {offsets = [0, 3], sizes = [128, 1], strides = [1, 1]} : vector<128x16xf32> to vector<128x1xf32>
      %concatenate3A_157 = tpu.concatenate %slice3A_152, %slice3A_153, %slice3A_154, %slice3A_155, %slice3A_156, %broadcast_in_dim3A_99 in 1 : vector<128x1xf32>, vector<128x1xf32>, vector<128x1xf32>, vector<128x1xf32>, vector<128x1xf32>, vector<128x3xf32> -> vector<128x8xf32>
      %dot_general3A_158 = arith.constant dense<0.000000e+00> : vector<304x8xf32>
      %dot_general3A_159 = tpu.matmul %convert_element_type3A_151, %concatenate3A_157, %dot_general3A_158 {dimension_numbers = #tpu.dot_dimension_numbers<[0], [0], [1], [1], [0, 1, 1, 1], [], []>, precision = #tpu.contract_precision<fp32>, transpose_lhs_hint = false} : vector<128x304xf32>, vector<128x8xf32>, vector<304x8xf32> -> vector<304x8xf32>
      %add3A_160 = arith.addf %add3A_145, %dot_general3A_159 : vector<304x8xf32>
      %slice3A_161 = vector.extract_strided_slice %dot_general3A_53 {offsets = [0, 4], sizes = [128, 1], strides = [1, 1]} : vector<128x16xf32> to vector<128x1xf32>
      %eq3A_162 = vector.broadcast %slice3A_161 : vector<128x1xf32> to vector<128x304xf32>
      %eq3A_163 = vector.broadcast %convert_element_type3A_97 : vector<1x304xf32> to vector<128x304xf32>
      %eq3A_164 = arith.cmpf oeq, %eq3A_162, %eq3A_163 : vector<128x304xf32>
      %convert_element_type3A_165 = arith.extui %eq3A_164 : vector<128x304xi1> to vector<128x304xi32>
      %convert_element_type3A_166 = arith.sitofp %convert_element_type3A_165 : vector<128x304xi32> to vector<128x304xf32>
      %slice3A_167 = vector.extract_strided_slice %dot_general3A_63 {offsets = [0, 4], sizes = [128, 1], strides = [1, 1]} : vector<128x16xf32> to vector<128x1xf32>
      %slice3A_168 = vector.extract_strided_slice %dot_general3A_74 {offsets = [0, 4], sizes = [128, 1], strides = [1, 1]} : vector<128x16xf32> to vector<128x1xf32>
      %slice3A_169 = vector.extract_strided_slice %dot_general3A_82 {offsets = [0, 4], sizes = [128, 1], strides = [1, 1]} : vector<128x16xf32> to vector<128x1xf32>
      %slice3A_170 = vector.extract_strided_slice %dot_general3A_90 {offsets = [0, 4], sizes = [128, 1], strides = [1, 1]} : vector<128x16xf32> to vector<128x1xf32>
      %slice3A_171 = vector.extract_strided_slice %dot_general3A_95 {offsets = [0, 4], sizes = [128, 1], strides = [1, 1]} : vector<128x16xf32> to vector<128x1xf32>
      %concatenate3A_172 = tpu.concatenate %slice3A_167, %slice3A_168, %slice3A_169, %slice3A_170, %slice3A_171, %broadcast_in_dim3A_99 in 1 : vector<128x1xf32>, vector<128x1xf32>, vector<128x1xf32>, vector<128x1xf32>, vector<128x1xf32>, vector<128x3xf32> -> vector<128x8xf32>
      %dot_general3A_173 = arith.constant dense<0.000000e+00> : vector<304x8xf32>
      %dot_general3A_174 = tpu.matmul %convert_element_type3A_166, %concatenate3A_172, %dot_general3A_173 {dimension_numbers = #tpu.dot_dimension_numbers<[0], [0], [1], [1], [0, 1, 1, 1], [], []>, precision = #tpu.contract_precision<fp32>, transpose_lhs_hint = false} : vector<128x304xf32>, vector<128x8xf32>, vector<304x8xf32> -> vector<304x8xf32>
      %add3A_175 = arith.addf %add3A_160, %dot_general3A_174 : vector<304x8xf32>
      %slice3A_176 = vector.extract_strided_slice %dot_general3A_53 {offsets = [0, 5], sizes = [128, 1], strides = [1, 1]} : vector<128x16xf32> to vector<128x1xf32>
      %eq3A_177 = vector.broadcast %slice3A_176 : vector<128x1xf32> to vector<128x304xf32>
      %eq3A_178 = vector.broadcast %convert_element_type3A_97 : vector<1x304xf32> to vector<128x304xf32>
      %eq3A_179 = arith.cmpf oeq, %eq3A_177, %eq3A_178 : vector<128x304xf32>
      %convert_element_type3A_180 = arith.extui %eq3A_179 : vector<128x304xi1> to vector<128x304xi32>
      %convert_element_type3A_181 = arith.sitofp %convert_element_type3A_180 : vector<128x304xi32> to vector<128x304xf32>
      %slice3A_182 = vector.extract_strided_slice %dot_general3A_63 {offsets = [0, 5], sizes = [128, 1], strides = [1, 1]} : vector<128x16xf32> to vector<128x1xf32>
      %slice3A_183 = vector.extract_strided_slice %dot_general3A_74 {offsets = [0, 5], sizes = [128, 1], strides = [1, 1]} : vector<128x16xf32> to vector<128x1xf32>
      %slice3A_184 = vector.extract_strided_slice %dot_general3A_82 {offsets = [0, 5], sizes = [128, 1], strides = [1, 1]} : vector<128x16xf32> to vector<128x1xf32>
      %slice3A_185 = vector.extract_strided_slice %dot_general3A_90 {offsets = [0, 5], sizes = [128, 1], strides = [1, 1]} : vector<128x16xf32> to vector<128x1xf32>
      %slice3A_186 = vector.extract_strided_slice %dot_general3A_95 {offsets = [0, 5], sizes = [128, 1], strides = [1, 1]} : vector<128x16xf32> to vector<128x1xf32>
      %concatenate3A_187 = tpu.concatenate %slice3A_182, %slice3A_183, %slice3A_184, %slice3A_185, %slice3A_186, %broadcast_in_dim3A_99 in 1 : vector<128x1xf32>, vector<128x1xf32>, vector<128x1xf32>, vector<128x1xf32>, vector<128x1xf32>, vector<128x3xf32> -> vector<128x8xf32>
      %dot_general3A_188 = arith.constant dense<0.000000e+00> : vector<304x8xf32>
      %dot_general3A_189 = tpu.matmul %convert_element_type3A_181, %concatenate3A_187, %dot_general3A_188 {dimension_numbers = #tpu.dot_dimension_numbers<[0], [0], [1], [1], [0, 1, 1, 1], [], []>, precision = #tpu.contract_precision<fp32>, transpose_lhs_hint = false} : vector<128x304xf32>, vector<128x8xf32>, vector<304x8xf32> -> vector<304x8xf32>
      %add3A_190 = arith.addf %add3A_175, %dot_general3A_189 : vector<304x8xf32>
      %slice3A_191 = vector.extract_strided_slice %dot_general3A_53 {offsets = [0, 6], sizes = [128, 1], strides = [1, 1]} : vector<128x16xf32> to vector<128x1xf32>
      %eq3A_192 = vector.broadcast %slice3A_191 : vector<128x1xf32> to vector<128x304xf32>
      %eq3A_193 = vector.broadcast %convert_element_type3A_97 : vector<1x304xf32> to vector<128x304xf32>
      %eq3A_194 = arith.cmpf oeq, %eq3A_192, %eq3A_193 : vector<128x304xf32>
      %convert_element_type3A_195 = arith.extui %eq3A_194 : vector<128x304xi1> to vector<128x304xi32>
      %convert_element_type3A_196 = arith.sitofp %convert_element_type3A_195 : vector<128x304xi32> to vector<128x304xf32>
      %slice3A_197 = vector.extract_strided_slice %dot_general3A_63 {offsets = [0, 6], sizes = [128, 1], strides = [1, 1]} : vector<128x16xf32> to vector<128x1xf32>
      %slice3A_198 = vector.extract_strided_slice %dot_general3A_74 {offsets = [0, 6], sizes = [128, 1], strides = [1, 1]} : vector<128x16xf32> to vector<128x1xf32>
      %slice3A_199 = vector.extract_strided_slice %dot_general3A_82 {offsets = [0, 6], sizes = [128, 1], strides = [1, 1]} : vector<128x16xf32> to vector<128x1xf32>
      %slice3A_200 = vector.extract_strided_slice %dot_general3A_90 {offsets = [0, 6], sizes = [128, 1], strides = [1, 1]} : vector<128x16xf32> to vector<128x1xf32>
      %slice3A_201 = vector.extract_strided_slice %dot_general3A_95 {offsets = [0, 6], sizes = [128, 1], strides = [1, 1]} : vector<128x16xf32> to vector<128x1xf32>
      %concatenate3A_202 = tpu.concatenate %slice3A_197, %slice3A_198, %slice3A_199, %slice3A_200, %slice3A_201, %broadcast_in_dim3A_99 in 1 : vector<128x1xf32>, vector<128x1xf32>, vector<128x1xf32>, vector<128x1xf32>, vector<128x1xf32>, vector<128x3xf32> -> vector<128x8xf32>
      %dot_general3A_203 = arith.constant dense<0.000000e+00> : vector<304x8xf32>
      %dot_general3A_204 = tpu.matmul %convert_element_type3A_196, %concatenate3A_202, %dot_general3A_203 {dimension_numbers = #tpu.dot_dimension_numbers<[0], [0], [1], [1], [0, 1, 1, 1], [], []>, precision = #tpu.contract_precision<fp32>, transpose_lhs_hint = false} : vector<128x304xf32>, vector<128x8xf32>, vector<304x8xf32> -> vector<304x8xf32>
      %add3A_205 = arith.addf %add3A_190, %dot_general3A_204 : vector<304x8xf32>
      %slice3A_206 = vector.extract_strided_slice %dot_general3A_53 {offsets = [0, 7], sizes = [128, 1], strides = [1, 1]} : vector<128x16xf32> to vector<128x1xf32>
      %eq3A_207 = vector.broadcast %slice3A_206 : vector<128x1xf32> to vector<128x304xf32>
      %eq3A_208 = vector.broadcast %convert_element_type3A_97 : vector<1x304xf32> to vector<128x304xf32>
      %eq3A_209 = arith.cmpf oeq, %eq3A_207, %eq3A_208 : vector<128x304xf32>
      %convert_element_type3A_210 = arith.extui %eq3A_209 : vector<128x304xi1> to vector<128x304xi32>
      %convert_element_type3A_211 = arith.sitofp %convert_element_type3A_210 : vector<128x304xi32> to vector<128x304xf32>
      %slice3A_212 = vector.extract_strided_slice %dot_general3A_63 {offsets = [0, 7], sizes = [128, 1], strides = [1, 1]} : vector<128x16xf32> to vector<128x1xf32>
      %slice3A_213 = vector.extract_strided_slice %dot_general3A_74 {offsets = [0, 7], sizes = [128, 1], strides = [1, 1]} : vector<128x16xf32> to vector<128x1xf32>
      %slice3A_214 = vector.extract_strided_slice %dot_general3A_82 {offsets = [0, 7], sizes = [128, 1], strides = [1, 1]} : vector<128x16xf32> to vector<128x1xf32>
      %slice3A_215 = vector.extract_strided_slice %dot_general3A_90 {offsets = [0, 7], sizes = [128, 1], strides = [1, 1]} : vector<128x16xf32> to vector<128x1xf32>
      %slice3A_216 = vector.extract_strided_slice %dot_general3A_95 {offsets = [0, 7], sizes = [128, 1], strides = [1, 1]} : vector<128x16xf32> to vector<128x1xf32>
      %concatenate3A_217 = tpu.concatenate %slice3A_212, %slice3A_213, %slice3A_214, %slice3A_215, %slice3A_216, %broadcast_in_dim3A_99 in 1 : vector<128x1xf32>, vector<128x1xf32>, vector<128x1xf32>, vector<128x1xf32>, vector<128x1xf32>, vector<128x3xf32> -> vector<128x8xf32>
      %dot_general3A_218 = arith.constant dense<0.000000e+00> : vector<304x8xf32>
      %dot_general3A_219 = tpu.matmul %convert_element_type3A_211, %concatenate3A_217, %dot_general3A_218 {dimension_numbers = #tpu.dot_dimension_numbers<[0], [0], [1], [1], [0, 1, 1, 1], [], []>, precision = #tpu.contract_precision<fp32>, transpose_lhs_hint = false} : vector<128x304xf32>, vector<128x8xf32>, vector<304x8xf32> -> vector<304x8xf32>
      %add3A_220 = arith.addf %add3A_205, %dot_general3A_219 : vector<304x8xf32>
      %slice3A_221 = vector.extract_strided_slice %dot_general3A_53 {offsets = [0, 8], sizes = [128, 1], strides = [1, 1]} : vector<128x16xf32> to vector<128x1xf32>
      %eq3A_222 = vector.broadcast %slice3A_221 : vector<128x1xf32> to vector<128x304xf32>
      %eq3A_223 = vector.broadcast %convert_element_type3A_97 : vector<1x304xf32> to vector<128x304xf32>
      %eq3A_224 = arith.cmpf oeq, %eq3A_222, %eq3A_223 : vector<128x304xf32>
      %convert_element_type3A_225 = arith.extui %eq3A_224 : vector<128x304xi1> to vector<128x304xi32>
      %convert_element_type3A_226 = arith.sitofp %convert_element_type3A_225 : vector<128x304xi32> to vector<128x304xf32>
      %slice3A_227 = vector.extract_strided_slice %dot_general3A_63 {offsets = [0, 8], sizes = [128, 1], strides = [1, 1]} : vector<128x16xf32> to vector<128x1xf32>
      %slice3A_228 = vector.extract_strided_slice %dot_general3A_74 {offsets = [0, 8], sizes = [128, 1], strides = [1, 1]} : vector<128x16xf32> to vector<128x1xf32>
      %slice3A_229 = vector.extract_strided_slice %dot_general3A_82 {offsets = [0, 8], sizes = [128, 1], strides = [1, 1]} : vector<128x16xf32> to vector<128x1xf32>
      %slice3A_230 = vector.extract_strided_slice %dot_general3A_90 {offsets = [0, 8], sizes = [128, 1], strides = [1, 1]} : vector<128x16xf32> to vector<128x1xf32>
      %slice3A_231 = vector.extract_strided_slice %dot_general3A_95 {offsets = [0, 8], sizes = [128, 1], strides = [1, 1]} : vector<128x16xf32> to vector<128x1xf32>
      %concatenate3A_232 = tpu.concatenate %slice3A_227, %slice3A_228, %slice3A_229, %slice3A_230, %slice3A_231, %broadcast_in_dim3A_99 in 1 : vector<128x1xf32>, vector<128x1xf32>, vector<128x1xf32>, vector<128x1xf32>, vector<128x1xf32>, vector<128x3xf32> -> vector<128x8xf32>
      %dot_general3A_233 = arith.constant dense<0.000000e+00> : vector<304x8xf32>
      %dot_general3A_234 = tpu.matmul %convert_element_type3A_226, %concatenate3A_232, %dot_general3A_233 {dimension_numbers = #tpu.dot_dimension_numbers<[0], [0], [1], [1], [0, 1, 1, 1], [], []>, precision = #tpu.contract_precision<fp32>, transpose_lhs_hint = false} : vector<128x304xf32>, vector<128x8xf32>, vector<304x8xf32> -> vector<304x8xf32>
      %add3A_235 = arith.addf %add3A_220, %dot_general3A_234 : vector<304x8xf32>
      %slice3A_236 = vector.extract_strided_slice %dot_general3A_53 {offsets = [0, 9], sizes = [128, 1], strides = [1, 1]} : vector<128x16xf32> to vector<128x1xf32>
      %eq3A_237 = vector.broadcast %slice3A_236 : vector<128x1xf32> to vector<128x304xf32>
      %eq3A_238 = vector.broadcast %convert_element_type3A_97 : vector<1x304xf32> to vector<128x304xf32>
      %eq3A_239 = arith.cmpf oeq, %eq3A_237, %eq3A_238 : vector<128x304xf32>
      %convert_element_type3A_240 = arith.extui %eq3A_239 : vector<128x304xi1> to vector<128x304xi32>
      %convert_element_type3A_241 = arith.sitofp %convert_element_type3A_240 : vector<128x304xi32> to vector<128x304xf32>
      %slice3A_242 = vector.extract_strided_slice %dot_general3A_63 {offsets = [0, 9], sizes = [128, 1], strides = [1, 1]} : vector<128x16xf32> to vector<128x1xf32>
      %slice3A_243 = vector.extract_strided_slice %dot_general3A_74 {offsets = [0, 9], sizes = [128, 1], strides = [1, 1]} : vector<128x16xf32> to vector<128x1xf32>
      %slice3A_244 = vector.extract_strided_slice %dot_general3A_82 {offsets = [0, 9], sizes = [128, 1], strides = [1, 1]} : vector<128x16xf32> to vector<128x1xf32>
      %slice3A_245 = vector.extract_strided_slice %dot_general3A_90 {offsets = [0, 9], sizes = [128, 1], strides = [1, 1]} : vector<128x16xf32> to vector<128x1xf32>
      %slice3A_246 = vector.extract_strided_slice %dot_general3A_95 {offsets = [0, 9], sizes = [128, 1], strides = [1, 1]} : vector<128x16xf32> to vector<128x1xf32>
      %concatenate3A_247 = tpu.concatenate %slice3A_242, %slice3A_243, %slice3A_244, %slice3A_245, %slice3A_246, %broadcast_in_dim3A_99 in 1 : vector<128x1xf32>, vector<128x1xf32>, vector<128x1xf32>, vector<128x1xf32>, vector<128x1xf32>, vector<128x3xf32> -> vector<128x8xf32>
      %dot_general3A_248 = arith.constant dense<0.000000e+00> : vector<304x8xf32>
      %dot_general3A_249 = tpu.matmul %convert_element_type3A_241, %concatenate3A_247, %dot_general3A_248 {dimension_numbers = #tpu.dot_dimension_numbers<[0], [0], [1], [1], [0, 1, 1, 1], [], []>, precision = #tpu.contract_precision<fp32>, transpose_lhs_hint = false} : vector<128x304xf32>, vector<128x8xf32>, vector<304x8xf32> -> vector<304x8xf32>
      %add3A_250 = arith.addf %add3A_235, %dot_general3A_249 : vector<304x8xf32>
      %slice3A_251 = vector.extract_strided_slice %dot_general3A_53 {offsets = [0, 10], sizes = [128, 1], strides = [1, 1]} : vector<128x16xf32> to vector<128x1xf32>
      %eq3A_252 = vector.broadcast %slice3A_251 : vector<128x1xf32> to vector<128x304xf32>
      %eq3A_253 = vector.broadcast %convert_element_type3A_97 : vector<1x304xf32> to vector<128x304xf32>
      %eq3A_254 = arith.cmpf oeq, %eq3A_252, %eq3A_253 : vector<128x304xf32>
      %convert_element_type3A_255 = arith.extui %eq3A_254 : vector<128x304xi1> to vector<128x304xi32>
      %convert_element_type3A_256 = arith.sitofp %convert_element_type3A_255 : vector<128x304xi32> to vector<128x304xf32>
      %slice3A_257 = vector.extract_strided_slice %dot_general3A_63 {offsets = [0, 10], sizes = [128, 1], strides = [1, 1]} : vector<128x16xf32> to vector<128x1xf32>
      %slice3A_258 = vector.extract_strided_slice %dot_general3A_74 {offsets = [0, 10], sizes = [128, 1], strides = [1, 1]} : vector<128x16xf32> to vector<128x1xf32>
      %slice3A_259 = vector.extract_strided_slice %dot_general3A_82 {offsets = [0, 10], sizes = [128, 1], strides = [1, 1]} : vector<128x16xf32> to vector<128x1xf32>
      %slice3A_260 = vector.extract_strided_slice %dot_general3A_90 {offsets = [0, 10], sizes = [128, 1], strides = [1, 1]} : vector<128x16xf32> to vector<128x1xf32>
      %slice3A_261 = vector.extract_strided_slice %dot_general3A_95 {offsets = [0, 10], sizes = [128, 1], strides = [1, 1]} : vector<128x16xf32> to vector<128x1xf32>
      %concatenate3A_262 = tpu.concatenate %slice3A_257, %slice3A_258, %slice3A_259, %slice3A_260, %slice3A_261, %broadcast_in_dim3A_99 in 1 : vector<128x1xf32>, vector<128x1xf32>, vector<128x1xf32>, vector<128x1xf32>, vector<128x1xf32>, vector<128x3xf32> -> vector<128x8xf32>
      %dot_general3A_263 = arith.constant dense<0.000000e+00> : vector<304x8xf32>
      %dot_general3A_264 = tpu.matmul %convert_element_type3A_256, %concatenate3A_262, %dot_general3A_263 {dimension_numbers = #tpu.dot_dimension_numbers<[0], [0], [1], [1], [0, 1, 1, 1], [], []>, precision = #tpu.contract_precision<fp32>, transpose_lhs_hint = false} : vector<128x304xf32>, vector<128x8xf32>, vector<304x8xf32> -> vector<304x8xf32>
      %add3A_265 = arith.addf %add3A_250, %dot_general3A_264 : vector<304x8xf32>
      %slice3A_266 = vector.extract_strided_slice %dot_general3A_53 {offsets = [0, 11], sizes = [128, 1], strides = [1, 1]} : vector<128x16xf32> to vector<128x1xf32>
      %eq3A_267 = vector.broadcast %slice3A_266 : vector<128x1xf32> to vector<128x304xf32>
      %eq3A_268 = vector.broadcast %convert_element_type3A_97 : vector<1x304xf32> to vector<128x304xf32>
      %eq3A_269 = arith.cmpf oeq, %eq3A_267, %eq3A_268 : vector<128x304xf32>
      %convert_element_type3A_270 = arith.extui %eq3A_269 : vector<128x304xi1> to vector<128x304xi32>
      %convert_element_type3A_271 = arith.sitofp %convert_element_type3A_270 : vector<128x304xi32> to vector<128x304xf32>
      %slice3A_272 = vector.extract_strided_slice %dot_general3A_63 {offsets = [0, 11], sizes = [128, 1], strides = [1, 1]} : vector<128x16xf32> to vector<128x1xf32>
      %slice3A_273 = vector.extract_strided_slice %dot_general3A_74 {offsets = [0, 11], sizes = [128, 1], strides = [1, 1]} : vector<128x16xf32> to vector<128x1xf32>
      %slice3A_274 = vector.extract_strided_slice %dot_general3A_82 {offsets = [0, 11], sizes = [128, 1], strides = [1, 1]} : vector<128x16xf32> to vector<128x1xf32>
      %slice3A_275 = vector.extract_strided_slice %dot_general3A_90 {offsets = [0, 11], sizes = [128, 1], strides = [1, 1]} : vector<128x16xf32> to vector<128x1xf32>
      %slice3A_276 = vector.extract_strided_slice %dot_general3A_95 {offsets = [0, 11], sizes = [128, 1], strides = [1, 1]} : vector<128x16xf32> to vector<128x1xf32>
      %concatenate3A_277 = tpu.concatenate %slice3A_272, %slice3A_273, %slice3A_274, %slice3A_275, %slice3A_276, %broadcast_in_dim3A_99 in 1 : vector<128x1xf32>, vector<128x1xf32>, vector<128x1xf32>, vector<128x1xf32>, vector<128x1xf32>, vector<128x3xf32> -> vector<128x8xf32>
      %dot_general3A_278 = arith.constant dense<0.000000e+00> : vector<304x8xf32>
      %dot_general3A_279 = tpu.matmul %convert_element_type3A_271, %concatenate3A_277, %dot_general3A_278 {dimension_numbers = #tpu.dot_dimension_numbers<[0], [0], [1], [1], [0, 1, 1, 1], [], []>, precision = #tpu.contract_precision<fp32>, transpose_lhs_hint = false} : vector<128x304xf32>, vector<128x8xf32>, vector<304x8xf32> -> vector<304x8xf32>
      %add3A_280 = arith.addf %add3A_265, %dot_general3A_279 : vector<304x8xf32>
      %slice3A_281 = vector.extract_strided_slice %dot_general3A_53 {offsets = [0, 12], sizes = [128, 1], strides = [1, 1]} : vector<128x16xf32> to vector<128x1xf32>
      %eq3A_282 = vector.broadcast %slice3A_281 : vector<128x1xf32> to vector<128x304xf32>
      %eq3A_283 = vector.broadcast %convert_element_type3A_97 : vector<1x304xf32> to vector<128x304xf32>
      %eq3A_284 = arith.cmpf oeq, %eq3A_282, %eq3A_283 : vector<128x304xf32>
      %convert_element_type3A_285 = arith.extui %eq3A_284 : vector<128x304xi1> to vector<128x304xi32>
      %convert_element_type3A_286 = arith.sitofp %convert_element_type3A_285 : vector<128x304xi32> to vector<128x304xf32>
      %slice3A_287 = vector.extract_strided_slice %dot_general3A_63 {offsets = [0, 12], sizes = [128, 1], strides = [1, 1]} : vector<128x16xf32> to vector<128x1xf32>
      %slice3A_288 = vector.extract_strided_slice %dot_general3A_74 {offsets = [0, 12], sizes = [128, 1], strides = [1, 1]} : vector<128x16xf32> to vector<128x1xf32>
      %slice3A_289 = vector.extract_strided_slice %dot_general3A_82 {offsets = [0, 12], sizes = [128, 1], strides = [1, 1]} : vector<128x16xf32> to vector<128x1xf32>
      %slice3A_290 = vector.extract_strided_slice %dot_general3A_90 {offsets = [0, 12], sizes = [128, 1], strides = [1, 1]} : vector<128x16xf32> to vector<128x1xf32>
      %slice3A_291 = vector.extract_strided_slice %dot_general3A_95 {offsets = [0, 12], sizes = [128, 1], strides = [1, 1]} : vector<128x16xf32> to vector<128x1xf32>
      %concatenate3A_292 = tpu.concatenate %slice3A_287, %slice3A_288, %slice3A_289, %slice3A_290, %slice3A_291, %broadcast_in_dim3A_99 in 1 : vector<128x1xf32>, vector<128x1xf32>, vector<128x1xf32>, vector<128x1xf32>, vector<128x1xf32>, vector<128x3xf32> -> vector<128x8xf32>
      %dot_general3A_293 = arith.constant dense<0.000000e+00> : vector<304x8xf32>
      %dot_general3A_294 = tpu.matmul %convert_element_type3A_286, %concatenate3A_292, %dot_general3A_293 {dimension_numbers = #tpu.dot_dimension_numbers<[0], [0], [1], [1], [0, 1, 1, 1], [], []>, precision = #tpu.contract_precision<fp32>, transpose_lhs_hint = false} : vector<128x304xf32>, vector<128x8xf32>, vector<304x8xf32> -> vector<304x8xf32>
      %add3A_295 = arith.addf %add3A_280, %dot_general3A_294 : vector<304x8xf32>
      %slice3A_296 = vector.extract_strided_slice %dot_general3A_53 {offsets = [0, 13], sizes = [128, 1], strides = [1, 1]} : vector<128x16xf32> to vector<128x1xf32>
      %eq3A_297 = vector.broadcast %slice3A_296 : vector<128x1xf32> to vector<128x304xf32>
      %eq3A_298 = vector.broadcast %convert_element_type3A_97 : vector<1x304xf32> to vector<128x304xf32>
      %eq3A_299 = arith.cmpf oeq, %eq3A_297, %eq3A_298 : vector<128x304xf32>
      %convert_element_type3A_300 = arith.extui %eq3A_299 : vector<128x304xi1> to vector<128x304xi32>
      %convert_element_type3A_301 = arith.sitofp %convert_element_type3A_300 : vector<128x304xi32> to vector<128x304xf32>
      %slice3A_302 = vector.extract_strided_slice %dot_general3A_63 {offsets = [0, 13], sizes = [128, 1], strides = [1, 1]} : vector<128x16xf32> to vector<128x1xf32>
      %slice3A_303 = vector.extract_strided_slice %dot_general3A_74 {offsets = [0, 13], sizes = [128, 1], strides = [1, 1]} : vector<128x16xf32> to vector<128x1xf32>
      %slice3A_304 = vector.extract_strided_slice %dot_general3A_82 {offsets = [0, 13], sizes = [128, 1], strides = [1, 1]} : vector<128x16xf32> to vector<128x1xf32>
      %slice3A_305 = vector.extract_strided_slice %dot_general3A_90 {offsets = [0, 13], sizes = [128, 1], strides = [1, 1]} : vector<128x16xf32> to vector<128x1xf32>
      %slice3A_306 = vector.extract_strided_slice %dot_general3A_95 {offsets = [0, 13], sizes = [128, 1], strides = [1, 1]} : vector<128x16xf32> to vector<128x1xf32>
      %concatenate3A_307 = tpu.concatenate %slice3A_302, %slice3A_303, %slice3A_304, %slice3A_305, %slice3A_306, %broadcast_in_dim3A_99 in 1 : vector<128x1xf32>, vector<128x1xf32>, vector<128x1xf32>, vector<128x1xf32>, vector<128x1xf32>, vector<128x3xf32> -> vector<128x8xf32>
      %dot_general3A_308 = arith.constant dense<0.000000e+00> : vector<304x8xf32>
      %dot_general3A_309 = tpu.matmul %convert_element_type3A_301, %concatenate3A_307, %dot_general3A_308 {dimension_numbers = #tpu.dot_dimension_numbers<[0], [0], [1], [1], [0, 1, 1, 1], [], []>, precision = #tpu.contract_precision<fp32>, transpose_lhs_hint = false} : vector<128x304xf32>, vector<128x8xf32>, vector<304x8xf32> -> vector<304x8xf32>
      %add3A_310 = arith.addf %add3A_295, %dot_general3A_309 : vector<304x8xf32>
      %slice3A_311 = vector.extract_strided_slice %dot_general3A_53 {offsets = [0, 14], sizes = [128, 1], strides = [1, 1]} : vector<128x16xf32> to vector<128x1xf32>
      %eq3A_312 = vector.broadcast %slice3A_311 : vector<128x1xf32> to vector<128x304xf32>
      %eq3A_313 = vector.broadcast %convert_element_type3A_97 : vector<1x304xf32> to vector<128x304xf32>
      %eq3A_314 = arith.cmpf oeq, %eq3A_312, %eq3A_313 : vector<128x304xf32>
      %convert_element_type3A_315 = arith.extui %eq3A_314 : vector<128x304xi1> to vector<128x304xi32>
      %convert_element_type3A_316 = arith.sitofp %convert_element_type3A_315 : vector<128x304xi32> to vector<128x304xf32>
      %slice3A_317 = vector.extract_strided_slice %dot_general3A_63 {offsets = [0, 14], sizes = [128, 1], strides = [1, 1]} : vector<128x16xf32> to vector<128x1xf32>
      %slice3A_318 = vector.extract_strided_slice %dot_general3A_74 {offsets = [0, 14], sizes = [128, 1], strides = [1, 1]} : vector<128x16xf32> to vector<128x1xf32>
      %slice3A_319 = vector.extract_strided_slice %dot_general3A_82 {offsets = [0, 14], sizes = [128, 1], strides = [1, 1]} : vector<128x16xf32> to vector<128x1xf32>
      %slice3A_320 = vector.extract_strided_slice %dot_general3A_90 {offsets = [0, 14], sizes = [128, 1], strides = [1, 1]} : vector<128x16xf32> to vector<128x1xf32>
      %slice3A_321 = vector.extract_strided_slice %dot_general3A_95 {offsets = [0, 14], sizes = [128, 1], strides = [1, 1]} : vector<128x16xf32> to vector<128x1xf32>
      %concatenate3A_322 = tpu.concatenate %slice3A_317, %slice3A_318, %slice3A_319, %slice3A_320, %slice3A_321, %broadcast_in_dim3A_99 in 1 : vector<128x1xf32>, vector<128x1xf32>, vector<128x1xf32>, vector<128x1xf32>, vector<128x1xf32>, vector<128x3xf32> -> vector<128x8xf32>
      %dot_general3A_323 = arith.constant dense<0.000000e+00> : vector<304x8xf32>
      %dot_general3A_324 = tpu.matmul %convert_element_type3A_316, %concatenate3A_322, %dot_general3A_323 {dimension_numbers = #tpu.dot_dimension_numbers<[0], [0], [1], [1], [0, 1, 1, 1], [], []>, precision = #tpu.contract_precision<fp32>, transpose_lhs_hint = false} : vector<128x304xf32>, vector<128x8xf32>, vector<304x8xf32> -> vector<304x8xf32>
      %add3A_325 = arith.addf %add3A_310, %dot_general3A_324 : vector<304x8xf32>
      %slice3A_326 = vector.extract_strided_slice %dot_general3A_53 {offsets = [0, 15], sizes = [128, 1], strides = [1, 1]} : vector<128x16xf32> to vector<128x1xf32>
      %eq3A_327 = vector.broadcast %slice3A_326 : vector<128x1xf32> to vector<128x304xf32>
      %eq3A_328 = vector.broadcast %convert_element_type3A_97 : vector<1x304xf32> to vector<128x304xf32>
      %eq3A_329 = arith.cmpf oeq, %eq3A_327, %eq3A_328 : vector<128x304xf32>
      %convert_element_type3A_330 = arith.extui %eq3A_329 : vector<128x304xi1> to vector<128x304xi32>
      %convert_element_type3A_331 = arith.sitofp %convert_element_type3A_330 : vector<128x304xi32> to vector<128x304xf32>
      %slice3A_332 = vector.extract_strided_slice %dot_general3A_63 {offsets = [0, 15], sizes = [128, 1], strides = [1, 1]} : vector<128x16xf32> to vector<128x1xf32>
      %slice3A_333 = vector.extract_strided_slice %dot_general3A_74 {offsets = [0, 15], sizes = [128, 1], strides = [1, 1]} : vector<128x16xf32> to vector<128x1xf32>
      %slice3A_334 = vector.extract_strided_slice %dot_general3A_82 {offsets = [0, 15], sizes = [128, 1], strides = [1, 1]} : vector<128x16xf32> to vector<128x1xf32>
      %slice3A_335 = vector.extract_strided_slice %dot_general3A_90 {offsets = [0, 15], sizes = [128, 1], strides = [1, 1]} : vector<128x16xf32> to vector<128x1xf32>
      %slice3A_336 = vector.extract_strided_slice %dot_general3A_95 {offsets = [0, 15], sizes = [128, 1], strides = [1, 1]} : vector<128x16xf32> to vector<128x1xf32>
      %concatenate3A_337 = tpu.concatenate %slice3A_332, %slice3A_333, %slice3A_334, %slice3A_335, %slice3A_336, %broadcast_in_dim3A_99 in 1 : vector<128x1xf32>, vector<128x1xf32>, vector<128x1xf32>, vector<128x1xf32>, vector<128x1xf32>, vector<128x3xf32> -> vector<128x8xf32>
      %dot_general3A_338 = arith.constant dense<0.000000e+00> : vector<304x8xf32>
      %dot_general3A_339 = tpu.matmul %convert_element_type3A_331, %concatenate3A_337, %dot_general3A_338 {dimension_numbers = #tpu.dot_dimension_numbers<[0], [0], [1], [1], [0, 1, 1, 1], [], []>, precision = #tpu.contract_precision<fp32>, transpose_lhs_hint = false} : vector<128x304xf32>, vector<128x8xf32>, vector<304x8xf32> -> vector<304x8xf32>
      %add3A_340 = arith.addf %add3A_325, %dot_general3A_339 : vector<304x8xf32>
      %swap3A = arith.constant 0 : index
      %swap3A_341 = arith.constant 0 : index
      %swap3A_342 = vector.load %arg6[%swap3A, %swap3A_341] : memref<304x8xf32, #tpu.memory_space<vmem>>, vector<304x8xf32>
      tpu.vector_store %arg6[%swap3A, %swap3A_341], %add3A_340 {strides = array<i32>} : memref<304x8xf32, #tpu.memory_space<vmem>>, vector<304x8xf32>,
    } else {
    }
    return
  }
  func.func @transform_0(%arg0: i32) -> (i32, i32) {
    %c0_i32 = arith.constant 0 : i32
    %c0_i32_0 = arith.constant 0 : i32
    %c0_i32_1 = arith.constant 0 : i32
    return %c0_i32, %c0_i32_0 : i32, i32
  }
  func.func @transform_1(%arg0: i32) -> (i32, i32) {
    %c0_i32 = arith.constant 0 : i32
    %c0_i32_0 = arith.constant 0 : i32
    %c0_i32_1 = arith.constant 0 : i32
    return %c0_i32, %c0_i32_0 : i32, i32
  }
  func.func @transform_2(%arg0: i32) -> (i32, i32) {
    %c0_i32 = arith.constant 0 : i32
    %c0_i32_0 = arith.constant 0 : i32
    %c0_i32_1 = arith.constant 0 : i32
    return %c0_i32, %c0_i32_0 : i32, i32
  }
  func.func @transform_3(%arg0: i32) -> (i32, i32) {
    %c0_i32 = arith.constant 0 : i32
    %c0_i32_0 = arith.constant 0 : i32
    %c0_i32_1 = arith.constant 0 : i32
    return %c0_i32, %c0_i32_0 : i32, i32
  }
  func.func @transform_4(%arg0: i32) -> (i32, i32) {
    %c0_i32 = arith.constant 0 : i32
    %c0_i32_0 = arith.constant 0 : i32
    %c0_i32_1 = arith.constant 0 : i32
    return %c0_i32, %c0_i32_0 : i32, i32
  }
  func.func @transform_5(%arg0: i32) -> (i32, i32) {
    %c0_i32 = arith.constant 0 : i32
    %c0_i32_0 = arith.constant 0 : i32
    %c0_i32_1 = arith.constant 0 : i32
    return %c0_i32, %c0_i32_0 : i32, i32
  }
}

</mosaic_0001>

<sc_bundles>
// kernel: kernel.4.cloned.1.call-start
scs
__scs_entry_jumppad:
0x0: {  	(pc) =	sbr.rel $0x88, $3  }
0x1: {  	(tag) =	ssettag $0x0;
	lr =	simm.s32 $0x1  }
0x2: {  	[smem:$0x3FA0] =	sst lr;
	_ =	strace $0xD0000000  }
0x3: {  	_ = 	snop  }
0x4: {  	_ = 	snop  }
0x5: {  	_ = 	snop  }
0x6: {  	_ = 	snop  }
0x7: {  	_ = 	snop  }
__scs_overlays_trampoline_lowered:
0x8: {  	[smem:$0x3FAF] =	sst s0  }
0x9: {  	[smem:$0x3FB0] =	sst s1  }
0xa: {  	[smem:$0x3FB1] =	sst s2  }
0xb: {  	[smem:$0x3FB2] =	sst s3  }
0xc: {  	[smem:$0x3FB3] =	sst s4  }
0xd: {  	[smem:$0x3FB4] =	sst s5  }
0xe: {  	[smem:$0x3FB5] =	sst s6  }
0xf: {  	[smem:$0x3FB6] =	sst s7  }
0x10: {  	[smem:$0x3FB7] =	sst s8  }
0x11: {  	[smem:$0x3FB8] =	sst s9;
	s0 =	simm.s32 @!p0 $0x0  }
0x12: {  	s1 =	sld [smem:$0x3F9E];
	s0 =	simm.s32 @p0 $0x1  }
0x13: {  	[smem:$0x3FB9] =	sst s0;
	s0 =	simm.s32 @!p1 $0x0  }
0x14: {  	s2 =	sld [smem:$0x3F9D];
	s0 =	simm.s32 @p1 $0x1  }
0x15: {  	[smem:$0x3FBA] =	sst s0;
	s0 =	simm.s32 @!p2 $0x0  }
0x16: {  	s3 =	sld [smem:$0x3FDB];
	s0 =	simm.s32 @p2 $0x1  }
0x17: {  	s4 =	simm.s32 $0x1BF5;
	[smem:$0x3FBC] =	sst s0  }
0x18: {  	s0 =	sld [smem:$0x3F9F];
	_ =	swait.ge [sflag:s4], $0x0  }
0x19: {  	s7 =	sld [smem:$0x3FA0]  }
0x1a: {  	s8 =	sadd.s32 $0xFFFFE003, lr  }
0x1b: {  	s9 =	sadd.s32 $0xFFFFFEF7, lr;
	s5 =	simm.s32 $0xFFFFFFFF;
	p2 =	slt.u32 s8, $0xFFFFF086  }
0x1c: {  	p1 =	slt.u32 s9, $0xF7A;
	s5 =	simm.s32 @!p2 $0x0  }
0x1d: {  	s5 =	simm.s32 @p1 $0x1;
	p0 =	seq.s32 s7, s2  }
0x1e: {  	s7 =	smul.u32 @!p0 $0xF7A, s2;
	p2 =	seq.s32 @!p0 s5, $0x0  }
0x1f: {  	s9 =	smul.u32 $0xF7A, s1;
	s8 =	simm.s32 @!p0 $0x1BF5;
	p2 =	por !p2, p0  }
0x20: {  	[sflag:s8] =	ssyncset.s32 @!p0 $0xFFFFF086;
	s6 =	sadd.s32 @!p0 s3, s7;
	s7 =	simm.s32 @!p0 $0x108  }
0x21: {  	s3 =	sadd.s32 s3, s9;
	s6 =	sadd.s32 @!p0 $0x88, s6;
	s7 =	simm.s32 @p2 $0x1082  }
0x22: {  	[simem:s7], [sflag:s8] =	dma.local @!p0 [hbm:s6], $0xF7A  }
0x23: {  	s9 =	sor.u32 $0xD0000000, s2;
	s6 =	simm.s32 $0x108;
	_ =	swait.ge @!p0 [sflag:s8], $0x0  }
0x24: {  	s3 =	sadd.s32 $0x88, s3;
	s6 =	simm.s32 @!p1 $0x1082;
	[sflag:s4] =	ssyncset.s32 $0xFFFFF086  }
0x25: {  	[simem:s6], [sflag:s4] =	dma.local [hbm:s3], $0xF7A  }
0x26: {  	[smem:$0x3FA0] =	sst s1;
	(tag) =	ssettag s2;
	_ =	strace s9  }
0x27: {  	s1 =	sld [smem:$0x3FB0]  }
0x28: {  	s2 =	sld [smem:$0x3FB1]  }
0x29: {  	s4 =	sld [smem:$0x3FB3]  }
0x2a: {  	p0 =	seq.s32 s5, $0x0;
	s5 =	sld [smem:$0x3FB4]  }
0x2b: {  	s6 =	sld [smem:$0x3FB5]  }
0x2c: {  	s7 =	sld [smem:$0x3FB6]  }
0x2d: {  	s3 =	simm.s32 $0x108;
	s8 =	sld [smem:$0x3FB7]  }
0x2e: {  	s3 =	simm.s32 @!p0 $0x1082;
	s9 =	sld [smem:$0x3FB8]  }
0x2f: {  	lr =	sadd.s32 s0, s3;
	s0 =	sld [smem:$0x3FAF]  }
0x30: {  	s3 =	sld [smem:$0x3FB2]  }
0x31: {  	[smem:$0x3FBB] =	sst s10  }
0x32: {  	s10 =	sld [smem:$0x3FB9];
	_ =	sdelay $0x3  }
0x33: {  	p0 =	seq.s32 s10, $0x1;
	s10 =	sld [smem:$0x3FBB];
	_ =	sdelay $0x3  }
0x34: {  	[smem:$0x3FBB] =	sst s10  }
0x35: {  	s10 =	sld [smem:$0x3FBA];
	_ =	sdelay $0x3  }
0x36: {  	p1 =	seq.s32 s10, $0x1;
	s10 =	sld [smem:$0x3FBB];
	_ =	sdelay $0x3  }
0x37: {  	[smem:$0x3FBB] =	sst s10  }
0x38: {  	s10 =	sld [smem:$0x3FBC]  }
0x39: {  	_ = 	snop;
	(pc) =	sbr.ind lr, $3  }
0x3a: {  	_ = 	snop  }
0x3b: {  	_ = 	snop  }
0x3c: {  	p2 =	seq.s32 s10, $0x1;
	s10 =	sld [smem:$0x3FBB]  }
0x3d: {  	_ =	shalt  }
0x3e: {  	_ =	shalt  }
0x3f: {  	_ =	shalt  }
0x40: {  	_ =	shalt  }
0x41: {  	_ =	shalt  }
0x42: {  	_ =	shalt  }
0x43: {  	_ =	shalt  }
0x44: {  	_ =	shalt  }
0x45: {  	_ =	shalt  }
0x46: {  	_ =	shalt  }
0x47: {  	_ =	shalt  }
0x48: {  	_ =	shalt  }
0x49: {  	_ =	shalt  }
0x4a: {  	_ =	shalt  }
0x4b: {  	_ =	shalt  }
0x4c: {  	_ =	shalt  }
0x4d: {  	_ =	shalt  }
0x4e: {  	_ =	shalt  }
0x4f: {  	_ =	shalt  }
0x50: {  	_ =	shalt  }
0x51: {  	_ =	shalt  }
0x52: {  	_ =	shalt  }
0x53: {  	_ =	shalt  }
0x54: {  	_ =	shalt  }
0x55: {  	_ =	shalt  }
0x56: {  	_ =	shalt  }
0x57: {  	_ =	shalt  }
0x58: {  	_ =	shalt  }
0x59: {  	_ =	shalt  }
0x5a: {  	_ =	shalt  }
0x5b: {  	_ =	shalt  }
0x5c: {  	_ =	shalt  }
0x5d: {  	_ =	shalt  }
0x5e: {  	_ =	shalt  }
0x5f: {  	_ =	shalt  }
0x60: {  	_ =	shalt  }
0x61: {  	_ =	shalt  }
0x62: {  	_ =	shalt  }
0x63: {  	_ =	shalt  }
0x64: {  	_ =	shalt  }
0x65: {  	_ =	shalt  }
0x66: {  	_ =	shalt  }
0x67: {  	_ =	shalt  }
0x68: {  	_ =	shalt  }
0x69: {  	_ =	shalt  }
0x6a: {  	_ =	shalt  }
0x6b: {  	_ =	shalt  }
0x6c: {  	_ =	shalt  }
0x6d: {  	_ =	shalt  }
0x6e: {  	_ =	shalt  }
0x6f: {  	_ =	shalt  }
0x70: {  	_ =	shalt  }
0x71: {  	_ =	shalt  }
0x72: {  	_ =	shalt  }
0x73: {  	_ =	shalt  }
0x74: {  	_ =	shalt  }
0x75: {  	_ =	shalt  }
0x76: {  	_ =	shalt  }
0x77: {  	_ =	shalt  }
0x78: {  	_ =	shalt  }
0x79: {  	_ =	shalt  }
0x7a: {  	_ =	shalt  }
0x7b: {  	_ =	shalt  }
0x7c: {  	_ =	shalt  }
0x7d: {  	_ =	shalt  }
0x7e: {  	_ =	shalt  }
0x7f: {  	_ =	shalt  }
0x80: {  	_ =	shalt  }
0x81: {  	_ =	shalt  }
0x82: {  	_ =	shalt  }
0x83: {  	_ =	shalt  }
0x84: {  	_ =	shalt  }
0x85: {  	_ =	shalt  }
0x86: {  	_ =	shalt  }
0x87: {  	_ =	shalt  }
.Lfunc_end0:
.L_simem_size_0:
called_computation_lowered:
.L_overlay_start_0:
0x88: {  	s2 =	sld [smem:$0x3FD9]  }
0x89: {  	s3 =	sld [smem:$0x3FFE];
	_ =	sdelay $0x1  }
0x8a: {  	s1 =	srdreg.scid  }
0x8b: {  	s0 =	sand.u32 $0x1, s1  }
0x8c: {  	s17 =	sshll.u32 s0, $0xA;
	s2 =	sadd.s32 s3, s2  }
0x8d: {  	s2 =	sadd.s32 s2, s17  }
0x8e: {  	[smem:$0x3FC7] =	sst s2  }
0x8f: {  	_ = 	snop  }
0x90: {  	s2 =	sld [smem:$0x3FD0];
	(tm) =	ssettm $0x1  }
0x91: {  	s18 =	sld [smem:$0x3FFB];
	_ =	sdelay $0x3  }
0x92: {  	_ =	strace s18  }
0x93: {  	s3 =	sld [smem:$0x3FFC];
	_ =	sdelay $0x3  }
0x94: {  	_ =	strace s3  }
0x95: {  	s3 =	sld [smem:$0x3FFD];
	_ =	sdelay $0x3  }
0x96: {  	_ =	strace s3  }
0x97: {  	_ =	strace $0x8FFFFFFF  }
0x98: {  	s19 =	sld [smem:$0x3FDB];
	_ =	sdelay $0x1  }
0x99: {  	s4 =	simm.s32 $_scs_section_size  }
0x9a: {  	s5 =	simm.s32 $_size__tile_overlayer_lowered;
	s6 =	simm.s32 $_tile_overlayer_lowered  }
0x9b: {  	s22 =	simm.s32 $0x1BFF;
	s21 =	sshll.u32 s6, $0x1;
	s3 =	sadd.s32 s4, s19  }
0x9c: {  	s7 =	simm.s32 $0x0;
	s20 =	sshll.u32 s5, $0x1;
	s5 =	sadd.s32 s21, s3  }
0x9d: {  	[timem:s7], [sflag:s22] =	dma.local [hbm:s5], s20  }
0x9e: {  	_ =	swait.ge [sflag:s22], s20  }
0x9f: {  	s4 =	ssub.s32 $0x0, s20;
	[sflag:s22] =	ssyncset.done $0x0  }
0xa0: {  	[sflag:s22] =	ssyncadd.s32 s4;
	_ =	sdelay $0x1  }
0xa1: {  	s23 =	simm.s32 $0x1B8B  }
0xa2: {  	_ =	swait.ge [sflag:s23], $0x1  }
0xa3: {  	[sflag:s23] =	ssyncset.done $0x0  }
0xa4: {  	s25 =	simm.s32 $0x1B8E;
	s24 =	sld [smem:$0x3FFE];
	[sflag:s23] =	ssyncadd.s32 $0xFFFFFFFF  }
0xa5: {  	s26 =	simm.s32 $execute0_lowered;
	[smem:$0x3FD2] =	sst s25  }
0xa6: {  	s5 =	sshll.u32 s26, $0x1;
	_ =	strace $0x80000046;
	[dreg:$0x1] =	wrdreg $0xFFFFFFFF  }
0xa7: {  	s28 =	simm.s32 $_size_execute0_lowered;
	s3 =	sadd.s32 s3, s5;
	[dreg:$0x0] =	wrdreg $0x0  }
0xa8: {  	s5 =	sshll.u32 s28, $0x1;
	[dreg:$0x2] =	wrdreg s3  }
0xa9: {  	[dreg:$0x3] =	wrdreg s5  }
0xaa: {  	[dreg:$0x4] =	wrdreg $0xC0  }
0xab: {  	_ =	task [dreg:s7], $0x5FFFF  }
0xac: {  	[dreg:$0x1] =	wrdreg $0xFFFFFFFF  }
0xad: {  	[dreg:$0x0] =	wrdreg $0x60  }
0xae: {  	[dreg:$0x2] =	wrdreg s24  }
0xaf: {  	[dreg:$0x3] =	wrdreg s2  }
0xb0: {  	[dreg:$0x4] =	wrdreg $0x9  }
0xb1: {  	_ =	task.clear_ibuf [dreg:s7], $0x5FFFF;
	_ =	strace $0x90000046  }
0xb2: {  	s29 =	simm.s32 $0x9;
	_ =	strace $0x80000048  }
0xb3: {  	_ =	swait.ge [sflag:s29], $0x1  }
0xb4: {  	[sflag:s29] =	ssyncadd.s32 $0xFFFFFFFF  }
0xb5: {  	_ =	strace $0x90000048  }
0xb6: {  	_ =	sfence  }
0xb7: {  	s30 =	sld [smem:$0x0];
	_ =	sdelay $0x2  }
0xb8: {  	s31 =	sshll.u32 s1, $0xD;
	s1 =	sshrl.u32 s1, $0x2  }
0xb9: {  	s3 =	sand.u32 $0x4000, s31;
	s1 =	sadd.s32 s1, s30  }
0xba: {  	s0 =	sor.u32 s3, s0;
	s1 =	sshll.u32 s1, $0x11  }
0xbb: {  	s0 =	sor.u32 s1, s0  }
0xbc: {  	s0 =	sadd.s32 $0x8F2B, s0  }
0xbd: {  	[sflag:s0] =	ssyncadd.remote.s32 $0x1  }
0xbe: {  	_ =	sfence.sel $0xFFFF  }
0xbf: {  	[dreg:$0x0] =	wrdreg $0xFFFFFFFF;
	(pc) =	sbr.abs _section_cstart, $3  }
0xc0: {  	[dreg:$0x1] =	wrdreg $0xFFFFFFFF  }
0xc1: {  	_ =	task.clear_ibuf [dreg:s7], $0x2FFFF;
	_ =	strace $0x9FFFFFFF  }
0xc2: {  	(tm) =	ssettm $0x7FFFFFFF  }
0xc3: {  	_ =	shalt  }
tec
execute0_lowered:
.L_overlay_start_1:
0x0: {  	(tag) =	ssettag $0x1  }
0x1: {  	s4 =	rddreg [dreg:$0x0]  }
0x2: {  	s3 =	rddreg [dreg:$0x1];
	s2 =	srdreg.scid  }
0x3: {  	s0 =	rddreg [dreg:$0x2];
	s1 =	stileid.u32;
	s19 =	sand.u32 $0x1, s2  }
0x4: {  	s2 =	simm.s32 $0x0;
	s5 =	sshll.u32 s1, $0x4;
	s6 =	sshll.u32 s19, $0x3  }
0x5: {  	[smem:$0x7FF] =	sst s2;
	s18 =	sor.u32 s6, s5  }
0x6: {  	_ =	strace $0x80000047;
	s5 =	sadd.s32 s3, s18;
	s3 =	simm.s32 $0x2  }
0x7: {  	[tilespmem:s2], [sflag:$0x2] =	stream.linear.gather [hbm4b:s5+s2], $0x40, $0x38;
	[tilespmem:$0x580] =	vst v63  }
0x8: {  	_ =	swait.ge [sflag:s3], $0x40  }
0x9: {  	[sflag:s3] =	ssyncset.done $0x0  }
0xa: {  	[sflag:s3] =	ssyncadd.s32 $0xFFFFFFC0  }
0xb: {  	v0 =	vld [tilespmem:$0x20]  }
0xc: {  	v1 =	vld [tilespmem:$0x0]  }
0xd: {  	v2 =	vld [tilespmem:$0x30]  }
0xe: {  	v58 =	vld [tilespmem:$0x10]  }
0xf: {  	v60 =	vld [tilespmem:$0x30]  }
0x10: {  	v3 =	vld [tilespmem:$0x20]  }
0x11: {  	v4 =	vld [tilespmem:$0x10];
	[tilespmem:$0xA0] =	vst v0  }
0x12: {  	v5 =	vld [tilespmem:$0x0];
	[tilespmem:$0x80] =	vst v1  }
0x13: {  	v44 =	vld [tilespmem:$0x30];
	[tilespmem:$0x90] =	vst v58  }
0x14: {  	v45 =	vld [tilespmem:$0x20];
	v2 =	vadd.s32 $0xEA60, v2;
	[tilespmem:$0xB0] =	vst v60  }
0x15: {  	v6 =	vld [tilespmem:$0x10];
	v46 =	vadd.s32 $0x13880, v3;
	[tilespmem:$0x230] =	vst v2  }
0x16: {  	v47 =	vld [tilespmem:$0x0];
	v4 =	vadd.s32 $0x13880, v4;
	[tilespmem:$0x2A0] =	vst v46  }
0x17: {  	v49 =	vld [tilespmem:$0x10];
	v5 =	vadd.s32 $0x13880, v5;
	[tilespmem:$0x290] =	vst v4  }
0x18: {  	v52 =	vld [tilespmem:$0x30];
	v0 =	vadd.s32 $0x4E20, v44;
	[tilespmem:$0x280] =	vst v5  }
0x19: {  	v53 =	vld [tilespmem:$0x20];
	v1 =	vadd.s32 $0xEA60, v45;
	[tilespmem:$0x130] =	vst v0  }
0x1a: {  	v54 =	vld [tilespmem:$0x10];
	v51 =	vadd.s32 $0xEA60, v6;
	[tilespmem:$0x220] =	vst v1  }
0x1b: {  	v56 =	vld [tilespmem:$0x30];
	v3 =	vadd.s32 $0xEA60, v47;
	[tilespmem:$0x210] =	vst v51  }
0x1c: {  	v57 =	vld [tilespmem:$0x0];
	v55 =	vadd.s32 $0x9C40, v49;
	[tilespmem:$0x200] =	vst v3  }
0x1d: {  	v48 =	vld [tilespmem:$0x20];
	v59 =	vadd.s32 $0x13880, v52;
	[tilespmem:$0x190] =	vst v55  }
0x1e: {  	v50 =	vld [tilespmem:$0x0];
	v6 =	vadd.s32 $0x4E20, v53;
	[tilespmem:$0x2B0] =	vst v59  }
0x1f: {  	v61 =	vadd.s32 $0x4E20, v54;
	[tilespmem:$0x120] =	vst v6  }
0x20: {  	v62 =	vadd.s32 $0x9C40, v56;
	[tilespmem:$0x110] =	vst v61  }
0x21: {  	v63 =	vadd.s32 $0x4E20, v57;
	[tilespmem:$0x1B0] =	vst v62  }
0x22: {  	v2 =	vadd.s32 $0x9C40, v48;
	[tilespmem:$0x100] =	vst v63  }
0x23: {  	v0 =	vadd.s32 $0x9C40, v50;
	[tilespmem:$0x1A0] =	vst v2  }
0x24: {  	s8 =	simm.s32 $0x40;
	s9 =	simm.s32 $0x80;
	s11 =	simm.s32 $0x300;
	[tilespmem:$0x180] =	vst v0  }
0x25: {  	[tilespmem:s11], [sflag:$0x1] =	stream.indirect.gather [hbm4b:s4+s8], $0x1, s9, s8, $0xb8;
	[tilespmem:$0x580] =	vst v63  }
0x26: {  	s12 =	simm.s32 $0x100;
	s14 =	simm.s32 $0x380  }
0x27: {  	[tilespmem:s14], [sflag:$0x1] =	stream.indirect.gather [hbm4b:s4+s8], $0x1, s12, s8, $0xb8;
	[tilespmem:$0x580] =	vst v63  }
0x28: {  	s15 =	simm.s32 $0x180;
	s13 =	simm.s32 $0x400  }
0x29: {  	[tilespmem:s13], [sflag:$0x1] =	stream.indirect.gather [hbm4b:s4+s8], $0x1, s15, s8, $0xb8;
	[tilespmem:$0x580] =	vst v63  }
0x2a: {  	s16 =	simm.s32 $0x200;
	s10 =	simm.s32 $0x480  }
0x2b: {  	[tilespmem:s10], [sflag:$0x1] =	stream.indirect.gather [hbm4b:s4+s8], $0x1, s16, s8, $0xb8;
	[tilespmem:$0x580] =	vst v63  }
0x2c: {  	s17 =	simm.s32 $0x280;
	s7 =	simm.s32 $0x1;
	s6 =	simm.s32 $0x500  }
0x2d: {  	[tilespmem:s6], [sflag:$0x1] =	stream.indirect.gather [hbm4b:s4+s8], $0x1, s17, s8, $0xb8;
	[tilespmem:$0x580] =	vst v63  }
0x2e: {  	_ =	swait.ge [sflag:s7], $0x40  }
0x2f: {  	s23 =	sadd.s32 s18, s4;
	[sflag:s7] =	ssyncset.done $0x0  }
0x30: {  	s18 =	sadd.s32 $0x3400, s23;
	[sflag:s7] =	ssyncadd.s32 $0xFFFFFFC0  }
0x31: {  	[hbm4b:s18+s2] =	stream.linear.scatter [tilespmem:s11], [sflag:$0x2], $0x40, $0x38;
	[tilespmem:$0x580] =	vst v63  }
0x32: {  	_ =	swait.ge [sflag:s3], $0x40  }
0x33: {  	s19 =	ssub.s32 $0x2, s19;
	[sflag:s3] =	ssyncset.done $0x0  }
0x34: {  	s20 =	sshrl.u32 s19, $0x1;
	[sflag:s3] =	ssyncadd.s32 $0xFFFFFFC0  }
0x35: {  	s19 =	ssub.s32 s19, s20;
	_ =	swait.ge [sflag:s7], $0x40  }
0x36: {  	s24 =	smax.u32 s19, $0x1;
	[sflag:s7] =	ssyncset.done $0x0  }
0x37: {  	s21 =	sadd.s32 $0x3200, s23;
	p0 =	sne.s32 s24, $0x1;
	[sflag:s7] =	ssyncadd.s32 $0xFFFFFFC0  }
0x38: {  	[hbm4b:s21+s2] =	stream.linear.scatter [tilespmem:s14], [sflag:$0x2], $0x40, $0x38;
	[tilespmem:$0x580] =	vst v63  }
.Ltmp0:
0x39: {  	_ = 	snop;
	(pc) =	sbr.rel @!p0 .LBB2_2-.Ltmp0, $4  }
0x3a: {  	_ =	swait.ge [sflag:s3], $0x40  }
0x3b: {  	[sflag:s3] =	ssyncset.done $0x0  }
0x3c: {  	s22 =	sadd.s32 $0x3600, s23;
	s20 =	sadd.s32 $0x3800, s23;
	[sflag:s3] =	ssyncadd.s32 $0xFFFFFFC0  }
0x3d: {  	s19 =	sadd.s32 $0x3A00, s23;
	s23 =	sadd.s32 $0xFFFFFFFF, s24;
	_ =	swait.ge [sflag:s7], $0x40  }
.LBB2_1:
0x3e: {  	p0 =	sne.s32 s23, $0x1;
	s23 =	sadd.s32 $0xFFFFFFFF, s23;
	[sflag:s7] =	ssyncset.done $0x0  }
0x3f: {  	[sflag:s7] =	ssyncadd.s32 $0xFFFFFFC0  }
0x40: {  	[hbm4b:s22+s2] =	stream.linear.scatter [tilespmem:s13], [sflag:$0x2], $0x40, $0x38;
	[tilespmem:$0x580] =	vst v63  }
0x41: {  	_ =	swait.ge [sflag:s3], $0x40  }
0x42: {  	[sflag:s3] =	ssyncset.done $0x0  }
0x43: {  	[sflag:s3] =	ssyncadd.s32 $0xFFFFFFC0  }
0x44: {  	_ =	swait.ge [sflag:s7], $0x40  }
0x45: {  	[sflag:s7] =	ssyncset.done $0x0  }
0x46: {  	[sflag:s7] =	ssyncadd.s32 $0xFFFFFFC0  }
0x47: {  	[hbm4b:s20+s2] =	stream.linear.scatter [tilespmem:s10], [sflag:$0x2], $0x40, $0x38;
	[tilespmem:$0x580] =	vst v63  }
0x48: {  	_ =	swait.ge [sflag:s3], $0x40  }
0x49: {  	[sflag:s3] =	ssyncset.done $0x0  }
0x4a: {  	[sflag:s3] =	ssyncadd.s32 $0xFFFFFFC0  }
0x4b: {  	_ =	swait.ge [sflag:s7], $0x40  }
0x4c: {  	[sflag:s7] =	ssyncset.done $0x0  }
0x4d: {  	[sflag:s7] =	ssyncadd.s32 $0xFFFFFFC0  }
0x4e: {  	[hbm4b:s19+s2] =	stream.linear.scatter [tilespmem:s6], [sflag:$0x2], $0x40, $0x38;
	[tilespmem:$0x580] =	vst v63  }
0x4f: {  	_ =	swait.ge [sflag:s3], $0x40  }
0x50: {  	[sflag:s3] =	ssyncset.done $0x0  }
0x51: {  	[sflag:s3] =	ssyncadd.s32 $0xFFFFFFC0  }
0x52: {  	[tilespmem:s2], [sflag:$0x2] =	stream.linear.gather [hbm4b:s5+s2], $0x40, $0x38;
	[tilespmem:$0x580] =	vst v63  }
0x53: {  	_ =	swait.ge [sflag:s3], $0x40  }
0x54: {  	[sflag:s3] =	ssyncset.done $0x0  }
0x55: {  	[sflag:s3] =	ssyncadd.s32 $0xFFFFFFC0  }
0x56: {  	v0 =	vld [tilespmem:$0x20]  }
0x57: {  	v1 =	vld [tilespmem:$0x0]  }
0x58: {  	v2 =	vld [tilespmem:$0x30]  }
0x59: {  	v3 =	vld [tilespmem:$0x20]  }
0x5a: {  	v4 =	vld [tilespmem:$0x10]  }
0x5b: {  	v5 =	vld [tilespmem:$0x0]  }
0x5c: {  	[tilespmem:$0xA0] =	vst v0;
	v0 =	vld [tilespmem:$0x30]  }
0x5d: {  	[tilespmem:$0x80] =	vst v1;
	v1 =	vld [tilespmem:$0x20];
	v2 =	vadd.s32 $0xEA60, v2  }
0x5e: {  	v6 =	vld [tilespmem:$0x10];
	[tilespmem:$0x230] =	vst v2;
	v2 =	vadd.s32 $0x13880, v3  }
0x5f: {  	v3 =	vld [tilespmem:$0x0];
	v4 =	vadd.s32 $0x13880, v4;
	[tilespmem:$0x2A0] =	vst v2  }
0x60: {  	v2 =	vld [tilespmem:$0x20];
	v5 =	vadd.s32 $0x13880, v5;
	[tilespmem:$0x290] =	vst v4  }
0x61: {  	v0 =	vadd.s32 $0x4E20, v0;
	v4 =	vld [tilespmem:$0x10];
	[tilespmem:$0x280] =	vst v5  }
0x62: {  	[tilespmem:$0x130] =	vst v0;
	v0 =	vld [tilespmem:$0x0];
	v1 =	vadd.s32 $0xEA60, v1  }
0x63: {  	v5 =	vadd.s32 $0xEA60, v6;
	[tilespmem:$0x220] =	vst v1;
	v1 =	vld [tilespmem:$0x30]  }
0x64: {  	v6 =	vld [tilespmem:$0x20];
	v3 =	vadd.s32 $0xEA60, v3;
	[tilespmem:$0x210] =	vst v5  }
0x65: {  	v5 =	vld [tilespmem:$0x10];
	v2 =	vadd.s32 $0x9C40, v2;
	[tilespmem:$0x200] =	vst v3  }
0x66: {  	v3 =	vadd.s32 $0x9C40, v4;
	[tilespmem:$0x1A0] =	vst v2;
	v2 =	vld [tilespmem:$0x30]  }
0x67: {  	v4 =	vld [tilespmem:$0x0];
	v0 =	vadd.s32 $0x9C40, v0;
	[tilespmem:$0x190] =	vst v3  }
0x68: {  	v3 =	vld [tilespmem:$0x10];
	[tilespmem:$0x180] =	vst v0;
	v0 =	vadd.s32 $0x13880, v1  }
0x69: {  	v1 =	vld [tilespmem:$0x30];
	v6 =	vadd.s32 $0x4E20, v6;
	[tilespmem:$0x2B0] =	vst v0  }
0x6a: {  	v0 =	vadd.s32 $0x4E20, v5;
	[tilespmem:$0x120] =	vst v6  }
0x6b: {  	[tilespmem:$0x110] =	vst v0;
	v0 =	vadd.s32 $0x9C40, v2  }
0x6c: {  	v2 =	vadd.s32 $0x4E20, v4;
	[tilespmem:$0x1B0] =	vst v0  }
0x6d: {  	[tilespmem:$0x90] =	vst v3  }
0x6e: {  	[tilespmem:$0xB0] =	vst v1  }
0x6f: {  	[tilespmem:$0x100] =	vst v2  }
0x70: {  	[tilespmem:s11], [sflag:$0x1] =	stream.indirect.gather [hbm4b:s4+s8], $0x1, s9, s8, $0xb8;
	[tilespmem:$0x580] =	vst v63  }
0x71: {  	_ = 	snop  }
0x72: {  	[tilespmem:s14], [sflag:$0x1] =	stream.indirect.gather [hbm4b:s4+s8], $0x1, s12, s8, $0xb8;
	[tilespmem:$0x580] =	vst v63  }
0x73: {  	_ = 	snop  }
0x74: {  	[tilespmem:s13], [sflag:$0x1] =	stream.indirect.gather [hbm4b:s4+s8], $0x1, s15, s8, $0xb8;
	[tilespmem:$0x580] =	vst v63  }
0x75: {  	_ = 	snop  }
0x76: {  	[tilespmem:s10], [sflag:$0x1] =	stream.indirect.gather [hbm4b:s4+s8], $0x1, s16, s8, $0xb8;
	[tilespmem:$0x580] =	vst v63  }
0x77: {  	_ = 	snop  }
0x78: {  	[tilespmem:s6], [sflag:$0x1] =	stream.indirect.gather [hbm4b:s4+s8], $0x1, s17, s8, $0xb8;
	[tilespmem:$0x580] =	vst v63  }
0x79: {  	_ =	swait.ge [sflag:s7], $0x40  }
0x7a: {  	[sflag:s7] =	ssyncset.done $0x0  }
0x7b: {  	[sflag:s7] =	ssyncadd.s32 $0xFFFFFFC0  }
0x7c: {  	[hbm4b:s18+s2] =	stream.linear.scatter [tilespmem:s11], [sflag:$0x2], $0x40, $0x38;
	[tilespmem:$0x580] =	vst v63  }
0x7d: {  	_ =	swait.ge [sflag:s3], $0x40  }
0x7e: {  	[sflag:s3] =	ssyncset.done $0x0  }
0x7f: {  	[sflag:s3] =	ssyncadd.s32 $0xFFFFFFC0  }
0x80: {  	_ =	swait.ge [sflag:s7], $0x40  }
0x81: {  	[sflag:s7] =	ssyncset.done $0x0  }
0x82: {  	[sflag:s7] =	ssyncadd.s32 $0xFFFFFFC0  }
0x83: {  	[hbm4b:s21+s2] =	stream.linear.scatter [tilespmem:s14], [sflag:$0x2], $0x40, $0x38;
	[tilespmem:$0x580] =	vst v63  }
.Ltmp1:
0x84: {  	_ = 	snop;
	(pc) =	sbr.rel @p0 .LBB2_1-.Ltmp1, $4  }
0x85: {  	_ =	swait.ge [sflag:s3], $0x40  }
0x86: {  	[sflag:s3] =	ssyncset.done $0x0  }
0x87: {  	[sflag:s3] =	ssyncadd.s32 $0xFFFFFFC0  }
0x88: {  	_ =	swait.ge [sflag:s7], $0x40  }
.LBB2_2:
0x89: {  	[sflag:s7] =	ssyncset.done $0x0  }
0x8a: {  	[sflag:s7] =	ssyncadd.s32 $0xFFFFFFC0  }
0x8b: {  	[hbm4b:s22+s2] =	stream.linear.scatter [tilespmem:s13], [sflag:$0x2], $0x40, $0x38;
	[tilespmem:$0x580] =	vst v63  }
0x8c: {  	_ =	swait.ge [sflag:s3], $0x40  }
0x8d: {  	[sflag:s3] =	ssyncset.done $0x0  }
0x8e: {  	[sflag:s3] =	ssyncadd.s32 $0xFFFFFFC0  }
0x8f: {  	_ =	swait.ge [sflag:s7], $0x40  }
0x90: {  	[sflag:s7] =	ssyncset.done $0x0  }
0x91: {  	[sflag:s7] =	ssyncadd.s32 $0xFFFFFFC0  }
0x92: {  	[hbm4b:s20+s2] =	stream.linear.scatter [tilespmem:s10], [sflag:$0x2], $0x40, $0x38;
	[tilespmem:$0x580] =	vst v63  }
0x93: {  	_ =	swait.ge [sflag:s3], $0x40  }
0x94: {  	[sflag:s3] =	ssyncset.done $0x0  }
0x95: {  	[sflag:s3] =	ssyncadd.s32 $0xFFFFFFC0  }
0x96: {  	_ =	swait.ge [sflag:s7], $0x40  }
0x97: {  	[sflag:s7] =	ssyncset.done $0x0  }
0x98: {  	[sflag:s7] =	ssyncadd.s32 $0xFFFFFFC0  }
0x99: {  	[hbm4b:s19+s2] =	stream.linear.scatter [tilespmem:s6], [sflag:$0x2], $0x40, $0x38;
	[tilespmem:$0x580] =	vst v63  }
0x9a: {  	_ =	swait.ge [sflag:s3], $0x40  }
0x9b: {  	[sflag:s3] =	ssyncset.done $0x0  }
0x9c: {  	[sflag:s3] =	ssyncadd.s32 $0xFFFFFFC0  }
0x9d: {  	_ =	sfence.sel $0x180000  }
0x9e: {  	[bflag:$0x0] =	sbarrier.arrive $0xFFFF  }
0x9f: {  	p0 =	sne.s32 s1, $0x0;
	_ =	strace $0x90000047  }
0xa0: {  	s0 =	sadd.s32 @!p0 $0x100000, s0;
	[bflag:$0x2] =	sbarrier.arrive $0xFFFF  }
0xa1: {  	[sflag:s0] =	ssyncadd.tile.s32 @!p0 $0x1;
	_ =	shalt  }
.Lfunc_end2:
_tile_overlayer_lowered:
.L_overlay_start_2:
0xa2: {  	(tag) =	ssettag $0x2  }
0xa3: {  	s0 =	rddreg [dreg:$0x0];
	s2 =	stileid.u32  }
0xa4: {  	s1 =	rddreg [dreg:$0x1];
	p0 =	sne.s32 s2, $0x0  }
0xa5: {  	s3 =	rddreg [dreg:$0x2];
	[bflag:$0x3] =	sbarrier.arrive $0xFFFF;
	s2 =	simm.s32 @!p0 $0x1C02  }
0xa6: {  	[timem:s3], [sflag:s2] =	dma.local @!p0 [hbm:s0], s1  }
0xa7: {  	s0 =	simm.s32 @!p0 $0x2  }
0xa8: {  	_ =	swait.ge @!p0 [sflag:s0], s1  }
0xa9: {  	s1 =	ssub.s32 @!p0 $0x0, s1;
	[sflag:s0] =	ssyncset.done @!p0 $0x0  }
0xaa: {  	[sflag:s0] =	ssyncadd.s32 @!p0 s1  }
0xab: {  	[bflag:$0x3] =	sbarrier.arrive $0xFFFF  }
0xac: {  	_ =	shalt  }

</sc_bundles>
